<compile_context>
chip_gen: v7x
topology: tpu7x:2x2x1
jax: 0.10.2.dev20260603
libtpu: 0.0.44.dev20260713+nightly
codegen_flags: <defaults>
</compile_context>

<pallas_src>
import functools

import jax
import jax.numpy as jnp
from jax import lax
from jax.experimental import pallas as pl
from jax.experimental.pallas import tpu as pltpu
from jax.experimental.pallas import tpu_sc as plsc

NUM_SUBCORES = 16
LANES = 16

N_STRUCTURES = 1000
N_STRUCT_PAD = 1024
ACC_ROWS = 8
ROW_STRIDE = N_STRUCT_PAD + 1
SPECIES_PAD = 128
UNROLL = 4
SUBCHUNKS = 4


def _tree_add(vs):
    while len(vs) > 1:
        vs = [a + b for a, b in zip(vs[::2], vs[1::2])] + (
            [vs[-1]] if len(vs) % 2 else [])
    return vs[0]


def _sc_total(e, zb, scale, offset, *, chunk):
    sub = chunk // SUBCHUNKS
    nblk = N_STRUCT_PAD // LANES
    cols = N_STRUCT_PAD // NUM_SUBCORES
    mesh = plsc.VectorSubcoreMesh(core_axis_name="c", subcore_axis_name="s",
                                  num_cores=1)

    @functools.partial(
        pl.kernel,
        out_type=jax.ShapeDtypeStruct((1, N_STRUCT_PAD), jnp.float32),
        mesh=mesh,
        scratch_types=[
            pltpu.VMEM((chunk,), jnp.float32),
            pltpu.VMEM((chunk,), jnp.int32),
            pltpu.VMEM((SPECIES_PAD,), jnp.float32),
            pltpu.VMEM((SPECIES_PAD,), jnp.float32),
            pltpu.VMEM((ACC_ROWS * ROW_STRIDE,), jnp.float32),
            pltpu.VMEM((N_STRUCT_PAD,), jnp.float32),
            pltpu.VMEM((NUM_SUBCORES, cols), jnp.float32),
            pltpu.VMEM((cols,), jnp.float32),
            pltpu.VMEM_SHARED((NUM_SUBCORES, N_STRUCT_PAD), jnp.float32),
            [pltpu.SemaphoreType.DMA] * SUBCHUNKS,
        ],
        compiler_params=pltpu.CompilerParams(needs_layout_passes=False),
    )
    def body(e_hbm, zb_hbm, sc_hbm, of_hbm, out_hbm,
             e_v, zb_v, sc_v, of_v, acc, acc1d, buf, outv, shared, sems):
        sid = lax.axis_index("s")
        base = sid * chunk
        copies = []
        for k in range(SUBCHUNKS):
            o = k * sub
            copies.append([
                pltpu.async_copy(e_hbm.at[pl.ds(base + o, sub)],
                                 e_v.at[pl.ds(o, sub)], sems[k]),
                pltpu.async_copy(zb_hbm.at[pl.ds(base + o, sub)],
                                 zb_v.at[pl.ds(o, sub)], sems[k]),
            ])
        tab_copies = [
            pltpu.async_copy(sc_hbm, sc_v, sems[0]),
            pltpu.async_copy(of_hbm, of_v, sems[0]),
        ]

        zeros = jnp.zeros((LANES,), jnp.float32)

        def zero_body(j, carry):
            o = j * LANES
            for r in range(ACC_ROWS):
                acc[pl.ds(r * ROW_STRIDE + o, LANES)] = zeros
            return carry

        lax.fori_loop(0, nblk, zero_body, 0)

        lanes = lax.iota(jnp.int32, LANES)

        for k in range(SUBCHUNKS):
            for c in copies[k]:
                c.wait()
            if k == 0:
                for c in tab_copies:
                    c.wait()

            @plsc.parallel_loop(k * sub, (k + 1) * sub, step=LANES,
                                unroll=UNROLL)
            def _main(i):
                e16 = e_v[pl.ds(i, LANES)]
                zb16 = zb_v[pl.ds(i, LANES)]
                z16 = lax.bitwise_and(zb16, SPECIES_PAD - 1)
                b16 = lax.shift_right_logical(zb16, 7)
                rot = lax.shift_right_logical(i, 4)
                rows = lax.bitwise_and(lanes + rot, ACC_ROWS - 1)
                sv = plsc.load_gather(sc_v, [z16])
                ov = plsc.load_gather(of_v, [z16])
                plsc.addupdate_scatter(acc, [rows * ROW_STRIDE + b16],
                                       e16 * sv + ov)

        @plsc.parallel_loop(0, N_STRUCT_PAD, step=LANES, unroll=2)
        def _reduce(o):
            vs = [acc[pl.ds(r * ROW_STRIDE + o, LANES)]
                  for r in range(ACC_ROWS)]
            acc1d[pl.ds(o, LANES)] = _tree_add(vs)

        pltpu.sync_copy(acc1d, shared.at[sid])
        plsc.subcore_barrier()

        cbase = sid * cols
        row_copies = [
            pltpu.async_copy(shared.at[r, pl.ds(cbase, cols)], buf.at[r],
                             sems[0])
            for r in range(NUM_SUBCORES)
        ]
        for c in row_copies:
            c.wait()
        for cb in range(cols // LANES):
            o = cb * LANES
            vs = [buf[r, pl.ds(o, LANES)] for r in range(NUM_SUBCORES)]
            outv[pl.ds(o, LANES)] = _tree_add(vs)
        pltpu.sync_copy(outv, out_hbm.at[0, pl.ds(cbase, cols)])

    return body(e, zb, scale, offset)


def kernel(local_energies, Z, batch, scale, offset):
    n = local_energies.shape[0]
    per = LANES * UNROLL * SUBCHUNKS
    chunk = -(-n // (NUM_SUBCORES * per)) * per
    padn = NUM_SUBCORES * chunk
    e_p = jnp.pad(local_energies, (0, padn - n))
    zb = Z + batch * SPECIES_PAD
    zb_p = jnp.pad(zb, (0, padn - n),
                   constant_values=N_STRUCTURES * SPECIES_PAD)
    sc_p = jnp.pad(scale, (0, SPECIES_PAD - scale.shape[0]))
    of_p = jnp.pad(offset, (0, SPECIES_PAD - offset.shape[0]))
    total = _sc_total(e_p, zb_p, sc_p, of_p, chunk=chunk)
    return total[0, :N_STRUCTURES]

# --- scband reference (transcript-rebuilt; emitter-appended) ---
"""Pipeline reference for scband-energy-summation-34144990003397 (READ-ONLY COPY).

The authoritative reference and input builder live on the scoring server;
editing this copy changes nothing except your own understanding.
"""

import jax, jax.numpy as jnp
import numpy as np

N_ATOMS = 100000
N_SPECIES = 100
N_STRUCTURES = 1000


def setup_inputs(seed: int = 0) -> dict:
    key = jax.random.key(seed)
    k1, k2, k3, k4, k5 = jax.random.split(key, 5)
    local_energies = jax.random.normal(k1, (N_ATOMS,), dtype=jnp.float32)
    Z = jax.random.randint(k2, (N_ATOMS,), 0, N_SPECIES, dtype=jnp.int64 if jax.config.jax_enable_x64 else jnp.int32).astype(jnp.int32)
    batch = jnp.sort(jax.random.randint(k3, (N_ATOMS,), 0, N_STRUCTURES).astype(jnp.int32))
    # learned per-species parameters (Chain([PerSpeciesScale(), PerSpeciesOffset()]))
    scale = 1.0 + 0.1 * jax.random.normal(k4, (N_SPECIES,), dtype=jnp.float32)
    offset = 0.1 * jax.random.normal(k5, (N_SPECIES,), dtype=jnp.float32)
    return {"local_energies": local_energies, "Z": Z, "batch": batch, "scale": scale, "offset": offset}


def reference(local_energies, Z, batch, scale, offset):
    # local_transform = Chain([PerSpeciesScale(), PerSpeciesOffset()])
    # PerSpeciesScale: multiply each atom's local energy by a learned per-species scale
    scaled = local_energies * jnp.take(scale, Z, axis=0)
    # PerSpeciesOffset: add a learned per-species offset
    local = scaled + jnp.take(offset, Z, axis=0)
    # sum_per_structure: segment-sum atomic contributions into per-structure totals
    total_E = jax.ops.segment_sum(local, batch, num_segments=N_STRUCTURES)
    # total_transform = Identity()
    return total_E

if __name__ == "__main__":
    import jax
    _d = setup_inputs()
    print(jax.jit(kernel)(*tuple(_d.values())))

</pallas_src>

<mosaic_0001>
#map = affine_map<(d0, d1) -> (0)>
#map1 = affine_map<(d0, d1) -> (0, 0)>
module attributes {stable_mosaic.version = 14 : i64} {
  func.func @body(%arg0: i32, %arg1: i32, %arg2: memref<102400xf32, #tpu.memory_space<hbm>>, %arg3: memref<102400xi32, #tpu.memory_space<hbm>>, %arg4: memref<128xf32, #tpu.memory_space<hbm>>, %arg5: memref<128xf32, #tpu.memory_space<hbm>>, %arg6: memref<1x1024xf32, #tpu.memory_space<hbm>>, %arg7: memref<6400xf32, #tpu.memory_space<vmem>>, %arg8: memref<6400xi32, #tpu.memory_space<vmem>>, %arg9: memref<128xf32, #tpu.memory_space<vmem>>, %arg10: memref<128xf32, #tpu.memory_space<vmem>>, %arg11: memref<8200xf32, #tpu.memory_space<vmem>>, %arg12: memref<1024xf32, #tpu.memory_space<vmem>>, %arg13: memref<16x64xf32, #tpu.memory_space<vmem>>, %arg14: memref<64xf32, #tpu.memory_space<vmem>>, %arg15: memref<16x1024xf32, #tpu.memory_space<vmem_shared>>, %arg16: memref<!tpu.dma_semaphore, #tpu.memory_space<semaphore_mem>>, %arg17: memref<!tpu.dma_semaphore, #tpu.memory_space<semaphore_mem>>, %arg18: memref<!tpu.dma_semaphore, #tpu.memory_space<semaphore_mem>>, %arg19: memref<!tpu.dma_semaphore, #tpu.memory_space<semaphore_mem>>) attributes {dimension_semantics = [#tpu.dimension_semantics<core_parallel>, #tpu.dimension_semantics<subcore_parallel>], iteration_bounds = array<i64: 1, 16>, scalar_prefetch = 0 : i64, scratch_operands = 13 : i64, tpu.core_type = #tpu.core_type<sc_vector_subcore>, window_params = [{transform_indices = #map}, {transform_indices = #map}, {transform_indices = #map}, {transform_indices = #map}, {transform_indices = #map1}]} {
    %mul3A = arith.constant 6400 : i32
    %mul3A_0 = arith.muli %arg1, %mul3A : i32
    %add3A = arith.constant 0 : i32
    %add3A_1 = arith.addi %mul3A_0, %add3A : i32
    %dma_start3A = arith.constant 0 : i32
    %dma_start3A_2 = tpu.memref_slice %arg7[%dma_start3A] : memref<6400xf32, #tpu.memory_space<vmem>> -> memref<1600xf32, #tpu.memory_space<vmem>>
    %dma_start3A_3 = tpu.memref_slice %arg2[%add3A_1] : memref<102400xf32, #tpu.memory_space<hbm>> -> memref<1600xf32, #tpu.memory_space<hbm>>
    %dma_start3A_4 = arith.constant 0 : i32
    %dma_start3A_5 = tpu.memref_slice %arg7[%dma_start3A_4] : memref<6400xf32, #tpu.memory_space<vmem>> -> memref<1600xf32, #tpu.memory_space<vmem>>
    %dma_start3A_6 = tpu.memref_slice %arg2[%add3A_1] : memref<102400xf32, #tpu.memory_space<hbm>> -> memref<1600xf32, #tpu.memory_space<hbm>>
    tpu.enqueue_dma source(%dma_start3A_6 : memref<1600xf32, #tpu.memory_space<hbm>>) target(%dma_start3A_5 : memref<1600xf32, #tpu.memory_space<vmem>>) target_semaphore(%arg16 : memref<!tpu.dma_semaphore, #tpu.memory_space<semaphore_mem>>)
    %add3A_7 = arith.constant 0 : i32
    %add3A_8 = arith.addi %mul3A_0, %add3A_7 : i32
    %dma_start3A_9 = arith.constant 0 : i32
    %dma_start3A_10 = tpu.memref_slice %arg8[%dma_start3A_9] : memref<6400xi32, #tpu.memory_space<vmem>> -> memref<1600xi32, #tpu.memory_space<vmem>>
    %dma_start3A_11 = tpu.memref_slice %arg3[%add3A_8] : memref<102400xi32, #tpu.memory_space<hbm>> -> memref<1600xi32, #tpu.memory_space<hbm>>
    %dma_start3A_12 = arith.constant 0 : i32
    %dma_start3A_13 = tpu.memref_slice %arg8[%dma_start3A_12] : memref<6400xi32, #tpu.memory_space<vmem>> -> memref<1600xi32, #tpu.memory_space<vmem>>
    %dma_start3A_14 = tpu.memref_slice %arg3[%add3A_8] : memref<102400xi32, #tpu.memory_space<hbm>> -> memref<1600xi32, #tpu.memory_space<hbm>>
    tpu.enqueue_dma source(%dma_start3A_14 : memref<1600xi32, #tpu.memory_space<hbm>>) target(%dma_start3A_13 : memref<1600xi32, #tpu.memory_space<vmem>>) target_semaphore(%arg16 : memref<!tpu.dma_semaphore, #tpu.memory_space<semaphore_mem>>)
    %add3A_15 = arith.constant 1600 : i32
    %add3A_16 = arith.addi %mul3A_0, %add3A_15 : i32
    %dma_start3A_17 = arith.constant 1600 : i32
    %dma_start3A_18 = tpu.memref_slice %arg7[%dma_start3A_17] : memref<6400xf32, #tpu.memory_space<vmem>> -> memref<1600xf32, #tpu.memory_space<vmem>>
    %dma_start3A_19 = tpu.memref_slice %arg2[%add3A_16] : memref<102400xf32, #tpu.memory_space<hbm>> -> memref<1600xf32, #tpu.memory_space<hbm>>
    %dma_start3A_20 = arith.constant 1600 : i32
    %dma_start3A_21 = tpu.memref_slice %arg7[%dma_start3A_20] : memref<6400xf32, #tpu.memory_space<vmem>> -> memref<1600xf32, #tpu.memory_space<vmem>>
    %dma_start3A_22 = tpu.memref_slice %arg2[%add3A_16] : memref<102400xf32, #tpu.memory_space<hbm>> -> memref<1600xf32, #tpu.memory_space<hbm>>
    tpu.enqueue_dma source(%dma_start3A_22 : memref<1600xf32, #tpu.memory_space<hbm>>) target(%dma_start3A_21 : memref<1600xf32, #tpu.memory_space<vmem>>) target_semaphore(%arg17 : memref<!tpu.dma_semaphore, #tpu.memory_space<semaphore_mem>>)
    %add3A_23 = arith.constant 1600 : i32
    %add3A_24 = arith.addi %mul3A_0, %add3A_23 : i32
    %dma_start3A_25 = arith.constant 1600 : i32
    %dma_start3A_26 = tpu.memref_slice %arg8[%dma_start3A_25] : memref<6400xi32, #tpu.memory_space<vmem>> -> memref<1600xi32, #tpu.memory_space<vmem>>
    %dma_start3A_27 = tpu.memref_slice %arg3[%add3A_24] : memref<102400xi32, #tpu.memory_space<hbm>> -> memref<1600xi32, #tpu.memory_space<hbm>>
    %dma_start3A_28 = arith.constant 1600 : i32
    %dma_start3A_29 = tpu.memref_slice %arg8[%dma_start3A_28] : memref<6400xi32, #tpu.memory_space<vmem>> -> memref<1600xi32, #tpu.memory_space<vmem>>
    %dma_start3A_30 = tpu.memref_slice %arg3[%add3A_24] : memref<102400xi32, #tpu.memory_space<hbm>> -> memref<1600xi32, #tpu.memory_space<hbm>>
    tpu.enqueue_dma source(%dma_start3A_30 : memref<1600xi32, #tpu.memory_space<hbm>>) target(%dma_start3A_29 : memref<1600xi32, #tpu.memory_space<vmem>>) target_semaphore(%arg17 : memref<!tpu.dma_semaphore, #tpu.memory_space<semaphore_mem>>)
    %add3A_31 = arith.constant 3200 : i32
    %add3A_32 = arith.addi %mul3A_0, %add3A_31 : i32
    %dma_start3A_33 = arith.constant 3200 : i32
    %dma_start3A_34 = tpu.memref_slice %arg7[%dma_start3A_33] : memref<6400xf32, #tpu.memory_space<vmem>> -> memref<1600xf32, #tpu.memory_space<vmem>>
    %dma_start3A_35 = tpu.memref_slice %arg2[%add3A_32] : memref<102400xf32, #tpu.memory_space<hbm>> -> memref<1600xf32, #tpu.memory_space<hbm>>
    %dma_start3A_36 = arith.constant 3200 : i32
    %dma_start3A_37 = tpu.memref_slice %arg7[%dma_start3A_36] : memref<6400xf32, #tpu.memory_space<vmem>> -> memref<1600xf32, #tpu.memory_space<vmem>>
    %dma_start3A_38 = tpu.memref_slice %arg2[%add3A_32] : memref<102400xf32, #tpu.memory_space<hbm>> -> memref<1600xf32, #tpu.memory_space<hbm>>
    tpu.enqueue_dma source(%dma_start3A_38 : memref<1600xf32, #tpu.memory_space<hbm>>) target(%dma_start3A_37 : memref<1600xf32, #tpu.memory_space<vmem>>) target_semaphore(%arg18 : memref<!tpu.dma_semaphore, #tpu.memory_space<semaphore_mem>>)
    %add3A_39 = arith.constant 3200 : i32
    %add3A_40 = arith.addi %mul3A_0, %add3A_39 : i32
    %dma_start3A_41 = arith.constant 3200 : i32
    %dma_start3A_42 = tpu.memref_slice %arg8[%dma_start3A_41] : memref<6400xi32, #tpu.memory_space<vmem>> -> memref<1600xi32, #tpu.memory_space<vmem>>
    %dma_start3A_43 = tpu.memref_slice %arg3[%add3A_40] : memref<102400xi32, #tpu.memory_space<hbm>> -> memref<1600xi32, #tpu.memory_space<hbm>>
    %dma_start3A_44 = arith.constant 3200 : i32
    %dma_start3A_45 = tpu.memref_slice %arg8[%dma_start3A_44] : memref<6400xi32, #tpu.memory_space<vmem>> -> memref<1600xi32, #tpu.memory_space<vmem>>
    %dma_start3A_46 = tpu.memref_slice %arg3[%add3A_40] : memref<102400xi32, #tpu.memory_space<hbm>> -> memref<1600xi32, #tpu.memory_space<hbm>>
    tpu.enqueue_dma source(%dma_start3A_46 : memref<1600xi32, #tpu.memory_space<hbm>>) target(%dma_start3A_45 : memref<1600xi32, #tpu.memory_space<vmem>>) target_semaphore(%arg18 : memref<!tpu.dma_semaphore, #tpu.memory_space<semaphore_mem>>)
    %add3A_47 = arith.constant 4800 : i32
    %add3A_48 = arith.addi %mul3A_0, %add3A_47 : i32
    %dma_start3A_49 = arith.constant 4800 : i32
    %dma_start3A_50 = tpu.memref_slice %arg7[%dma_start3A_49] : memref<6400xf32, #tpu.memory_space<vmem>> -> memref<1600xf32, #tpu.memory_space<vmem>>
    %dma_start3A_51 = tpu.memref_slice %arg2[%add3A_48] : memref<102400xf32, #tpu.memory_space<hbm>> -> memref<1600xf32, #tpu.memory_space<hbm>>
    %dma_start3A_52 = arith.constant 4800 : i32
    %dma_start3A_53 = tpu.memref_slice %arg7[%dma_start3A_52] : memref<6400xf32, #tpu.memory_space<vmem>> -> memref<1600xf32, #tpu.memory_space<vmem>>
    %dma_start3A_54 = tpu.memref_slice %arg2[%add3A_48] : memref<102400xf32, #tpu.memory_space<hbm>> -> memref<1600xf32, #tpu.memory_space<hbm>>
    tpu.enqueue_dma source(%dma_start3A_54 : memref<1600xf32, #tpu.memory_space<hbm>>) target(%dma_start3A_53 : memref<1600xf32, #tpu.memory_space<vmem>>) target_semaphore(%arg19 : memref<!tpu.dma_semaphore, #tpu.memory_space<semaphore_mem>>)
    %add3A_55 = arith.constant 4800 : i32
    %add3A_56 = arith.addi %mul3A_0, %add3A_55 : i32
    %dma_start3A_57 = arith.constant 4800 : i32
    %dma_start3A_58 = tpu.memref_slice %arg8[%dma_start3A_57] : memref<6400xi32, #tpu.memory_space<vmem>> -> memref<1600xi32, #tpu.memory_space<vmem>>
    %dma_start3A_59 = tpu.memref_slice %arg3[%add3A_56] : memref<102400xi32, #tpu.memory_space<hbm>> -> memref<1600xi32, #tpu.memory_space<hbm>>
    %dma_start3A_60 = arith.constant 4800 : i32
    %dma_start3A_61 = tpu.memref_slice %arg8[%dma_start3A_60] : memref<6400xi32, #tpu.memory_space<vmem>> -> memref<1600xi32, #tpu.memory_space<vmem>>
    %dma_start3A_62 = tpu.memref_slice %arg3[%add3A_56] : memref<102400xi32, #tpu.memory_space<hbm>> -> memref<1600xi32, #tpu.memory_space<hbm>>
    tpu.enqueue_dma source(%dma_start3A_62 : memref<1600xi32, #tpu.memory_space<hbm>>) target(%dma_start3A_61 : memref<1600xi32, #tpu.memory_space<vmem>>) target_semaphore(%arg19 : memref<!tpu.dma_semaphore, #tpu.memory_space<semaphore_mem>>)
    tpu.enqueue_dma source(%arg4 : memref<128xf32, #tpu.memory_space<hbm>>) target(%arg9 : memref<128xf32, #tpu.memory_space<vmem>>) target_semaphore(%arg16 : memref<!tpu.dma_semaphore, #tpu.memory_space<semaphore_mem>>)
    tpu.enqueue_dma source(%arg5 : memref<128xf32, #tpu.memory_space<hbm>>) target(%arg10 : memref<128xf32, #tpu.memory_space<vmem>>) target_semaphore(%arg16 : memref<!tpu.dma_semaphore, #tpu.memory_space<semaphore_mem>>)
    %broadcast_in_dim3A = arith.constant 0.000000e+00 : f32
    %broadcast_in_dim3A_63 = vector.broadcast %broadcast_in_dim3A : f32 to vector<16xf32>
    %scan3A = arith.constant 0 : i32
    %scan3A_64 = arith.constant 0 : i32
    %scan3A_65 = arith.constant 64 : i32
    %scan3A_66 = arith.addi %scan3A_64, %scan3A_65 : i32
    %scan3A_67 = arith.constant 1 : i32
    scf.for %scan3A_838 = %scan3A_64 to %scan3A_66 step %scan3A_67  : i32 {
      %mul3A_839 = arith.constant 16 : i32
      %mul3A_840 = arith.muli %scan3A_838, %mul3A_839 : i32
      %add3A_841 = arith.constant 0 : i32
      %add3A_842 = arith.addi %add3A_841, %mul3A_840 : i32
      %swap3A_843 = arith.index_cast %add3A_842 : i32 to index
      %swap3A_844 = tpu.vector_load %arg11[%swap3A_843] {strides = array<i32>} : memref<8200xf32, #tpu.memory_space<vmem>>, vector<16xf32>,
      tpu.vector_store %arg11[%swap3A_843], %broadcast_in_dim3A_63 {strides = array<i32>} : memref<8200xf32, #tpu.memory_space<vmem>>, vector<16xf32>,
      %add3A_845 = arith.constant 1025 : i32
      %add3A_846 = arith.addi %add3A_845, %mul3A_840 : i32
      %swap3A_847 = arith.index_cast %add3A_846 : i32 to index
      %swap3A_848 = tpu.vector_load %arg11[%swap3A_847] {strides = array<i32>} : memref<8200xf32, #tpu.memory_space<vmem>>, vector<16xf32>,
      tpu.vector_store %arg11[%swap3A_847], %broadcast_in_dim3A_63 {strides = array<i32>} : memref<8200xf32, #tpu.memory_space<vmem>>, vector<16xf32>,
      %add3A_849 = arith.constant 2050 : i32
      %add3A_850 = arith.addi %add3A_849, %mul3A_840 : i32
      %swap3A_851 = arith.index_cast %add3A_850 : i32 to index
      %swap3A_852 = tpu.vector_load %arg11[%swap3A_851] {strides = array<i32>} : memref<8200xf32, #tpu.memory_space<vmem>>, vector<16xf32>,
      tpu.vector_store %arg11[%swap3A_851], %broadcast_in_dim3A_63 {strides = array<i32>} : memref<8200xf32, #tpu.memory_space<vmem>>, vector<16xf32>,
      %add3A_853 = arith.constant 3075 : i32
      %add3A_854 = arith.addi %add3A_853, %mul3A_840 : i32
      %swap3A_855 = arith.index_cast %add3A_854 : i32 to index
      %swap3A_856 = tpu.vector_load %arg11[%swap3A_855] {strides = array<i32>} : memref<8200xf32, #tpu.memory_space<vmem>>, vector<16xf32>,
      tpu.vector_store %arg11[%swap3A_855], %broadcast_in_dim3A_63 {strides = array<i32>} : memref<8200xf32, #tpu.memory_space<vmem>>, vector<16xf32>,
      %add3A_857 = arith.constant 4100 : i32
      %add3A_858 = arith.addi %add3A_857, %mul3A_840 : i32
      %swap3A_859 = arith.index_cast %add3A_858 : i32 to index
      %swap3A_860 = tpu.vector_load %arg11[%swap3A_859] {strides = array<i32>} : memref<8200xf32, #tpu.memory_space<vmem>>, vector<16xf32>,
      tpu.vector_store %arg11[%swap3A_859], %broadcast_in_dim3A_63 {strides = array<i32>} : memref<8200xf32, #tpu.memory_space<vmem>>, vector<16xf32>,
      %add3A_861 = arith.constant 5125 : i32
      %add3A_862 = arith.addi %add3A_861, %mul3A_840 : i32
      %swap3A_863 = arith.index_cast %add3A_862 : i32 to index
      %swap3A_864 = tpu.vector_load %arg11[%swap3A_863] {strides = array<i32>} : memref<8200xf32, #tpu.memory_space<vmem>>, vector<16xf32>,
      tpu.vector_store %arg11[%swap3A_863], %broadcast_in_dim3A_63 {strides = array<i32>} : memref<8200xf32, #tpu.memory_space<vmem>>, vector<16xf32>,
      %add3A_865 = arith.constant 6150 : i32
      %add3A_866 = arith.addi %add3A_865, %mul3A_840 : i32
      %swap3A_867 = arith.index_cast %add3A_866 : i32 to index
      %swap3A_868 = tpu.vector_load %arg11[%swap3A_867] {strides = array<i32>} : memref<8200xf32, #tpu.memory_space<vmem>>, vector<16xf32>,
      tpu.vector_store %arg11[%swap3A_867], %broadcast_in_dim3A_63 {strides = array<i32>} : memref<8200xf32, #tpu.memory_space<vmem>>, vector<16xf32>,
      %add3A_869 = arith.constant 7175 : i32
      %add3A_870 = arith.addi %add3A_869, %mul3A_840 : i32
      %swap3A_871 = arith.index_cast %add3A_870 : i32 to index
      %swap3A_872 = tpu.vector_load %arg11[%swap3A_871] {strides = array<i32>} : memref<8200xf32, #tpu.memory_space<vmem>>, vector<16xf32>,
      tpu.vector_store %arg11[%swap3A_871], %broadcast_in_dim3A_63 {strides = array<i32>} : memref<8200xf32, #tpu.memory_space<vmem>>, vector<16xf32>,
    }
    %scan3A_68 = arith.constant 64 : i32
    %iota3A = tpu.iota {dimensions = array<i32: 0>} : vector<16xi32>
    %dma_wait3A = arith.constant 0 : i32
    %dma_wait3A_69 = tpu.memref_slice %arg7[%dma_wait3A] : memref<6400xf32, #tpu.memory_space<vmem>> -> memref<1600xf32, #tpu.memory_space<vmem>>
    %dma_wait3A_70 = tpu.memref_slice %arg2[%add3A_1] : memref<102400xf32, #tpu.memory_space<hbm>> -> memref<1600xf32, #tpu.memory_space<hbm>>
    %dma_wait3A_71 = arith.constant 0 : i32
    %dma_wait3A_72 = tpu.memref_slice %arg7[%dma_wait3A_71] : memref<6400xf32, #tpu.memory_space<vmem>> -> memref<1600xf32, #tpu.memory_space<vmem>>
    %dma_wait3A_73 = tpu.memref_slice %arg2[%add3A_1] : memref<102400xf32, #tpu.memory_space<hbm>> -> memref<1600xf32, #tpu.memory_space<hbm>>
    tpu.wait_dma2 semaphore(%arg16 : memref<!tpu.dma_semaphore, #tpu.memory_space<semaphore_mem>>) src(%dma_wait3A_73 : memref<1600xf32, #tpu.memory_space<hbm>>) dst(%dma_wait3A_72 : memref<1600xf32, #tpu.memory_space<vmem>>)
    %dma_wait3A_74 = arith.constant 0 : i32
    %dma_wait3A_75 = tpu.memref_slice %arg8[%dma_wait3A_74] : memref<6400xi32, #tpu.memory_space<vmem>> -> memref<1600xi32, #tpu.memory_space<vmem>>
    %dma_wait3A_76 = tpu.memref_slice %arg3[%add3A_8] : memref<102400xi32, #tpu.memory_space<hbm>> -> memref<1600xi32, #tpu.memory_space<hbm>>
    %dma_wait3A_77 = arith.constant 0 : i32
    %dma_wait3A_78 = tpu.memref_slice %arg8[%dma_wait3A_77] : memref<6400xi32, #tpu.memory_space<vmem>> -> memref<1600xi32, #tpu.memory_space<vmem>>
    %dma_wait3A_79 = tpu.memref_slice %arg3[%add3A_8] : memref<102400xi32, #tpu.memory_space<hbm>> -> memref<1600xi32, #tpu.memory_space<hbm>>
    tpu.wait_dma2 semaphore(%arg16 : memref<!tpu.dma_semaphore, #tpu.memory_space<semaphore_mem>>) src(%dma_wait3A_79 : memref<1600xi32, #tpu.memory_space<hbm>>) dst(%dma_wait3A_78 : memref<1600xi32, #tpu.memory_space<vmem>>)
    tpu.wait_dma2 semaphore(%arg16 : memref<!tpu.dma_semaphore, #tpu.memory_space<semaphore_mem>>) src(%arg4 : memref<128xf32, #tpu.memory_space<hbm>>) dst(%arg9 : memref<128xf32, #tpu.memory_space<vmem>>)
    tpu.wait_dma2 semaphore(%arg16 : memref<!tpu.dma_semaphore, #tpu.memory_space<semaphore_mem>>) src(%arg5 : memref<128xf32, #tpu.memory_space<hbm>>) dst(%arg10 : memref<128xf32, #tpu.memory_space<vmem>>)
    %parallel_loop3A = arith.constant 0 : i32
    %parallel_loop3A_80 = arith.constant 1600 : i32
    %parallel_loop3A_81 = arith.constant 16 : i32
    scf.for %parallel_loop3A_838 = %parallel_loop3A to %parallel_loop3A_80 step %parallel_loop3A_81  : i32 {
      %parallel_loop3A_839 = arith.index_cast %parallel_loop3A_838 : i32 to index
      %parallel_loop3A_840 = tpu.vector_load %arg7[%parallel_loop3A_839] {strides = array<i32>} : memref<6400xf32, #tpu.memory_space<vmem>>, vector<16xf32>,
      %parallel_loop3A_841 = arith.index_cast %parallel_loop3A_838 : i32 to index
      %parallel_loop3A_842 = tpu.vector_load %arg8[%parallel_loop3A_841] {strides = array<i32>} : memref<6400xi32, #tpu.memory_space<vmem>>, vector<16xi32>,
      %parallel_loop3A_843 = arith.constant 127 : i32
      %parallel_loop3A_844 = vector.broadcast %parallel_loop3A_843 : i32 to vector<16xi32>
      %parallel_loop3A_845 = arith.andi %parallel_loop3A_842, %parallel_loop3A_844 : vector<16xi32>
      %parallel_loop3A_846 = arith.constant 7 : i32
      %parallel_loop3A_847 = vector.broadcast %parallel_loop3A_846 : i32 to vector<16xi32>
      %parallel_loop3A_848 = arith.shrui %parallel_loop3A_842, %parallel_loop3A_847 : vector<16xi32>
      %parallel_loop3A_849 = arith.constant 4 : i32
      %parallel_loop3A_850 = arith.shrui %parallel_loop3A_838, %parallel_loop3A_849 : i32
      %parallel_loop3A_851 = vector.broadcast %parallel_loop3A_850 : i32 to vector<16xi32>
      %parallel_loop3A_852 = arith.addi %iota3A, %parallel_loop3A_851 : vector<16xi32>
      %parallel_loop3A_853 = arith.constant 7 : i32
      %parallel_loop3A_854 = vector.broadcast %parallel_loop3A_853 : i32 to vector<16xi32>
      %parallel_loop3A_855 = arith.andi %parallel_loop3A_852, %parallel_loop3A_854 : vector<16xi32>
      %parallel_loop3A_856 = tpu.vector_load_idx %arg9[%parallel_loop3A_845] : memref<128xf32, #tpu.memory_space<vmem>>[vector<16xi32>], vector<16xf32>,
      %parallel_loop3A_857 = tpu.vector_load_idx %arg10[%parallel_loop3A_845] : memref<128xf32, #tpu.memory_space<vmem>>[vector<16xi32>], vector<16xf32>,
      %parallel_loop3A_858 = arith.constant 1025 : i32
      %parallel_loop3A_859 = vector.broadcast %parallel_loop3A_858 : i32 to vector<16xi32>
      %parallel_loop3A_860 = arith.muli %parallel_loop3A_855, %parallel_loop3A_859 : vector<16xi32>
      %parallel_loop3A_861 = arith.addi %parallel_loop3A_860, %parallel_loop3A_848 : vector<16xi32>
      %parallel_loop3A_862 = arith.mulf %parallel_loop3A_840, %parallel_loop3A_856 : vector<16xf32>
      %parallel_loop3A_863 = arith.addf %parallel_loop3A_862, %parallel_loop3A_857 : vector<16xf32>
      tpu.vector_store_idx %arg11[%parallel_loop3A_861], %parallel_loop3A_863 {add = true} : memref<8200xf32, #tpu.memory_space<vmem>>[vector<16xi32>], vector<16xf32>,
    } {sc.loop_unroll_factor = 4 : i64, sc.parallel_access}
    %dma_wait3A_82 = arith.constant 1600 : i32
    %dma_wait3A_83 = tpu.memref_slice %arg7[%dma_wait3A_82] : memref<6400xf32, #tpu.memory_space<vmem>> -> memref<1600xf32, #tpu.memory_space<vmem>>
    %dma_wait3A_84 = tpu.memref_slice %arg2[%add3A_16] : memref<102400xf32, #tpu.memory_space<hbm>> -> memref<1600xf32, #tpu.memory_space<hbm>>
    %dma_wait3A_85 = arith.constant 1600 : i32
    %dma_wait3A_86 = tpu.memref_slice %arg7[%dma_wait3A_85] : memref<6400xf32, #tpu.memory_space<vmem>> -> memref<1600xf32, #tpu.memory_space<vmem>>
    %dma_wait3A_87 = tpu.memref_slice %arg2[%add3A_16] : memref<102400xf32, #tpu.memory_space<hbm>> -> memref<1600xf32, #tpu.memory_space<hbm>>
    tpu.wait_dma2 semaphore(%arg17 : memref<!tpu.dma_semaphore, #tpu.memory_space<semaphore_mem>>) src(%dma_wait3A_87 : memref<1600xf32, #tpu.memory_space<hbm>>) dst(%dma_wait3A_86 : memref<1600xf32, #tpu.memory_space<vmem>>)
    %dma_wait3A_88 = arith.constant 1600 : i32
    %dma_wait3A_89 = tpu.memref_slice %arg8[%dma_wait3A_88] : memref<6400xi32, #tpu.memory_space<vmem>> -> memref<1600xi32, #tpu.memory_space<vmem>>
    %dma_wait3A_90 = tpu.memref_slice %arg3[%add3A_24] : memref<102400xi32, #tpu.memory_space<hbm>> -> memref<1600xi32, #tpu.memory_space<hbm>>
    %dma_wait3A_91 = arith.constant 1600 : i32
    %dma_wait3A_92 = tpu.memref_slice %arg8[%dma_wait3A_91] : memref<6400xi32, #tpu.memory_space<vmem>> -> memref<1600xi32, #tpu.memory_space<vmem>>
    %dma_wait3A_93 = tpu.memref_slice %arg3[%add3A_24] : memref<102400xi32, #tpu.memory_space<hbm>> -> memref<1600xi32, #tpu.memory_space<hbm>>
    tpu.wait_dma2 semaphore(%arg17 : memref<!tpu.dma_semaphore, #tpu.memory_space<semaphore_mem>>) src(%dma_wait3A_93 : memref<1600xi32, #tpu.memory_space<hbm>>) dst(%dma_wait3A_92 : memref<1600xi32, #tpu.memory_space<vmem>>)
    %parallel_loop3A_94 = arith.constant 1600 : i32
    %parallel_loop3A_95 = arith.constant 3200 : i32
    %parallel_loop3A_96 = arith.constant 16 : i32
    scf.for %parallel_loop3A_838 = %parallel_loop3A_94 to %parallel_loop3A_95 step %parallel_loop3A_96  : i32 {
      %parallel_loop3A_839 = arith.index_cast %parallel_loop3A_838 : i32 to index
      %parallel_loop3A_840 = tpu.vector_load %arg7[%parallel_loop3A_839] {strides = array<i32>} : memref<6400xf32, #tpu.memory_space<vmem>>, vector<16xf32>,
      %parallel_loop3A_841 = arith.index_cast %parallel_loop3A_838 : i32 to index
      %parallel_loop3A_842 = tpu.vector_load %arg8[%parallel_loop3A_841] {strides = array<i32>} : memref<6400xi32, #tpu.memory_space<vmem>>, vector<16xi32>,
      %parallel_loop3A_843 = arith.constant 127 : i32
      %parallel_loop3A_844 = vector.broadcast %parallel_loop3A_843 : i32 to vector<16xi32>
      %parallel_loop3A_845 = arith.andi %parallel_loop3A_842, %parallel_loop3A_844 : vector<16xi32>
      %parallel_loop3A_846 = arith.constant 7 : i32
      %parallel_loop3A_847 = vector.broadcast %parallel_loop3A_846 : i32 to vector<16xi32>
      %parallel_loop3A_848 = arith.shrui %parallel_loop3A_842, %parallel_loop3A_847 : vector<16xi32>
      %parallel_loop3A_849 = arith.constant 4 : i32
      %parallel_loop3A_850 = arith.shrui %parallel_loop3A_838, %parallel_loop3A_849 : i32
      %parallel_loop3A_851 = vector.broadcast %parallel_loop3A_850 : i32 to vector<16xi32>
      %parallel_loop3A_852 = arith.addi %iota3A, %parallel_loop3A_851 : vector<16xi32>
      %parallel_loop3A_853 = arith.constant 7 : i32
      %parallel_loop3A_854 = vector.broadcast %parallel_loop3A_853 : i32 to vector<16xi32>
      %parallel_loop3A_855 = arith.andi %parallel_loop3A_852, %parallel_loop3A_854 : vector<16xi32>
      %parallel_loop3A_856 = tpu.vector_load_idx %arg9[%parallel_loop3A_845] : memref<128xf32, #tpu.memory_space<vmem>>[vector<16xi32>], vector<16xf32>,
      %parallel_loop3A_857 = tpu.vector_load_idx %arg10[%parallel_loop3A_845] : memref<128xf32, #tpu.memory_space<vmem>>[vector<16xi32>], vector<16xf32>,
      %parallel_loop3A_858 = arith.constant 1025 : i32
      %parallel_loop3A_859 = vector.broadcast %parallel_loop3A_858 : i32 to vector<16xi32>
      %parallel_loop3A_860 = arith.muli %parallel_loop3A_855, %parallel_loop3A_859 : vector<16xi32>
      %parallel_loop3A_861 = arith.addi %parallel_loop3A_860, %parallel_loop3A_848 : vector<16xi32>
      %parallel_loop3A_862 = arith.mulf %parallel_loop3A_840, %parallel_loop3A_856 : vector<16xf32>
      %parallel_loop3A_863 = arith.addf %parallel_loop3A_862, %parallel_loop3A_857 : vector<16xf32>
      tpu.vector_store_idx %arg11[%parallel_loop3A_861], %parallel_loop3A_863 {add = true} : memref<8200xf32, #tpu.memory_space<vmem>>[vector<16xi32>], vector<16xf32>,
    } {sc.loop_unroll_factor = 4 : i64, sc.parallel_access}
    %dma_wait3A_97 = arith.constant 3200 : i32
    %dma_wait3A_98 = tpu.memref_slice %arg7[%dma_wait3A_97] : memref<6400xf32, #tpu.memory_space<vmem>> -> memref<1600xf32, #tpu.memory_space<vmem>>
    %dma_wait3A_99 = tpu.memref_slice %arg2[%add3A_32] : memref<102400xf32, #tpu.memory_space<hbm>> -> memref<1600xf32, #tpu.memory_space<hbm>>
    %dma_wait3A_100 = arith.constant 3200 : i32
    %dma_wait3A_101 = tpu.memref_slice %arg7[%dma_wait3A_100] : memref<6400xf32, #tpu.memory_space<vmem>> -> memref<1600xf32, #tpu.memory_space<vmem>>
    %dma_wait3A_102 = tpu.memref_slice %arg2[%add3A_32] : memref<102400xf32, #tpu.memory_space<hbm>> -> memref<1600xf32, #tpu.memory_space<hbm>>
    tpu.wait_dma2 semaphore(%arg18 : memref<!tpu.dma_semaphore, #tpu.memory_space<semaphore_mem>>) src(%dma_wait3A_102 : memref<1600xf32, #tpu.memory_space<hbm>>) dst(%dma_wait3A_101 : memref<1600xf32, #tpu.memory_space<vmem>>)
    %dma_wait3A_103 = arith.constant 3200 : i32
    %dma_wait3A_104 = tpu.memref_slice %arg8[%dma_wait3A_103] : memref<6400xi32, #tpu.memory_space<vmem>> -> memref<1600xi32, #tpu.memory_space<vmem>>
    %dma_wait3A_105 = tpu.memref_slice %arg3[%add3A_40] : memref<102400xi32, #tpu.memory_space<hbm>> -> memref<1600xi32, #tpu.memory_space<hbm>>
    %dma_wait3A_106 = arith.constant 3200 : i32
    %dma_wait3A_107 = tpu.memref_slice %arg8[%dma_wait3A_106] : memref<6400xi32, #tpu.memory_space<vmem>> -> memref<1600xi32, #tpu.memory_space<vmem>>
    %dma_wait3A_108 = tpu.memref_slice %arg3[%add3A_40] : memref<102400xi32, #tpu.memory_space<hbm>> -> memref<1600xi32, #tpu.memory_space<hbm>>
    tpu.wait_dma2 semaphore(%arg18 : memref<!tpu.dma_semaphore, #tpu.memory_space<semaphore_mem>>) src(%dma_wait3A_108 : memref<1600xi32, #tpu.memory_space<hbm>>) dst(%dma_wait3A_107 : memref<1600xi32, #tpu.memory_space<vmem>>)
    %parallel_loop3A_109 = arith.constant 3200 : i32
    %parallel_loop3A_110 = arith.constant 4800 : i32
    %parallel_loop3A_111 = arith.constant 16 : i32
    scf.for %parallel_loop3A_838 = %parallel_loop3A_109 to %parallel_loop3A_110 step %parallel_loop3A_111  : i32 {
      %parallel_loop3A_839 = arith.index_cast %parallel_loop3A_838 : i32 to index
      %parallel_loop3A_840 = tpu.vector_load %arg7[%parallel_loop3A_839] {strides = array<i32>} : memref<6400xf32, #tpu.memory_space<vmem>>, vector<16xf32>,
      %parallel_loop3A_841 = arith.index_cast %parallel_loop3A_838 : i32 to index
      %parallel_loop3A_842 = tpu.vector_load %arg8[%parallel_loop3A_841] {strides = array<i32>} : memref<6400xi32, #tpu.memory_space<vmem>>, vector<16xi32>,
      %parallel_loop3A_843 = arith.constant 127 : i32
      %parallel_loop3A_844 = vector.broadcast %parallel_loop3A_843 : i32 to vector<16xi32>
      %parallel_loop3A_845 = arith.andi %parallel_loop3A_842, %parallel_loop3A_844 : vector<16xi32>
      %parallel_loop3A_846 = arith.constant 7 : i32
      %parallel_loop3A_847 = vector.broadcast %parallel_loop3A_846 : i32 to vector<16xi32>
      %parallel_loop3A_848 = arith.shrui %parallel_loop3A_842, %parallel_loop3A_847 : vector<16xi32>
      %parallel_loop3A_849 = arith.constant 4 : i32
      %parallel_loop3A_850 = arith.shrui %parallel_loop3A_838, %parallel_loop3A_849 : i32
      %parallel_loop3A_851 = vector.broadcast %parallel_loop3A_850 : i32 to vector<16xi32>
      %parallel_loop3A_852 = arith.addi %iota3A, %parallel_loop3A_851 : vector<16xi32>
      %parallel_loop3A_853 = arith.constant 7 : i32
      %parallel_loop3A_854 = vector.broadcast %parallel_loop3A_853 : i32 to vector<16xi32>
      %parallel_loop3A_855 = arith.andi %parallel_loop3A_852, %parallel_loop3A_854 : vector<16xi32>
      %parallel_loop3A_856 = tpu.vector_load_idx %arg9[%parallel_loop3A_845] : memref<128xf32, #tpu.memory_space<vmem>>[vector<16xi32>], vector<16xf32>,
      %parallel_loop3A_857 = tpu.vector_load_idx %arg10[%parallel_loop3A_845] : memref<128xf32, #tpu.memory_space<vmem>>[vector<16xi32>], vector<16xf32>,
      %parallel_loop3A_858 = arith.constant 1025 : i32
      %parallel_loop3A_859 = vector.broadcast %parallel_loop3A_858 : i32 to vector<16xi32>
      %parallel_loop3A_860 = arith.muli %parallel_loop3A_855, %parallel_loop3A_859 : vector<16xi32>
      %parallel_loop3A_861 = arith.addi %parallel_loop3A_860, %parallel_loop3A_848 : vector<16xi32>
      %parallel_loop3A_862 = arith.mulf %parallel_loop3A_840, %parallel_loop3A_856 : vector<16xf32>
      %parallel_loop3A_863 = arith.addf %parallel_loop3A_862, %parallel_loop3A_857 : vector<16xf32>
      tpu.vector_store_idx %arg11[%parallel_loop3A_861], %parallel_loop3A_863 {add = true} : memref<8200xf32, #tpu.memory_space<vmem>>[vector<16xi32>], vector<16xf32>,
    } {sc.loop_unroll_factor = 4 : i64, sc.parallel_access}
    %dma_wait3A_112 = arith.constant 4800 : i32
    %dma_wait3A_113 = tpu.memref_slice %arg7[%dma_wait3A_112] : memref<6400xf32, #tpu.memory_space<vmem>> -> memref<1600xf32, #tpu.memory_space<vmem>>
    %dma_wait3A_114 = tpu.memref_slice %arg2[%add3A_48] : memref<102400xf32, #tpu.memory_space<hbm>> -> memref<1600xf32, #tpu.memory_space<hbm>>
    %dma_wait3A_115 = arith.constant 4800 : i32
    %dma_wait3A_116 = tpu.memref_slice %arg7[%dma_wait3A_115] : memref<6400xf32, #tpu.memory_space<vmem>> -> memref<1600xf32, #tpu.memory_space<vmem>>
    %dma_wait3A_117 = tpu.memref_slice %arg2[%add3A_48] : memref<102400xf32, #tpu.memory_space<hbm>> -> memref<1600xf32, #tpu.memory_space<hbm>>
    tpu.wait_dma2 semaphore(%arg19 : memref<!tpu.dma_semaphore, #tpu.memory_space<semaphore_mem>>) src(%dma_wait3A_117 : memref<1600xf32, #tpu.memory_space<hbm>>) dst(%dma_wait3A_116 : memref<1600xf32, #tpu.memory_space<vmem>>)
    %dma_wait3A_118 = arith.constant 4800 : i32
    %dma_wait3A_119 = tpu.memref_slice %arg8[%dma_wait3A_118] : memref<6400xi32, #tpu.memory_space<vmem>> -> memref<1600xi32, #tpu.memory_space<vmem>>
    %dma_wait3A_120 = tpu.memref_slice %arg3[%add3A_56] : memref<102400xi32, #tpu.memory_space<hbm>> -> memref<1600xi32, #tpu.memory_space<hbm>>
    %dma_wait3A_121 = arith.constant 4800 : i32
    %dma_wait3A_122 = tpu.memref_slice %arg8[%dma_wait3A_121] : memref<6400xi32, #tpu.memory_space<vmem>> -> memref<1600xi32, #tpu.memory_space<vmem>>
    %dma_wait3A_123 = tpu.memref_slice %arg3[%add3A_56] : memref<102400xi32, #tpu.memory_space<hbm>> -> memref<1600xi32, #tpu.memory_space<hbm>>
    tpu.wait_dma2 semaphore(%arg19 : memref<!tpu.dma_semaphore, #tpu.memory_space<semaphore_mem>>) src(%dma_wait3A_123 : memref<1600xi32, #tpu.memory_space<hbm>>) dst(%dma_wait3A_122 : memref<1600xi32, #tpu.memory_space<vmem>>)
    %parallel_loop3A_124 = arith.constant 4800 : i32
    %parallel_loop3A_125 = arith.constant 6400 : i32
    %parallel_loop3A_126 = arith.constant 16 : i32
    scf.for %parallel_loop3A_838 = %parallel_loop3A_124 to %parallel_loop3A_125 step %parallel_loop3A_126  : i32 {
      %parallel_loop3A_839 = arith.index_cast %parallel_loop3A_838 : i32 to index
      %parallel_loop3A_840 = tpu.vector_load %arg7[%parallel_loop3A_839] {strides = array<i32>} : memref<6400xf32, #tpu.memory_space<vmem>>, vector<16xf32>,
      %parallel_loop3A_841 = arith.index_cast %parallel_loop3A_838 : i32 to index
      %parallel_loop3A_842 = tpu.vector_load %arg8[%parallel_loop3A_841] {strides = array<i32>} : memref<6400xi32, #tpu.memory_space<vmem>>, vector<16xi32>,
      %parallel_loop3A_843 = arith.constant 127 : i32
      %parallel_loop3A_844 = vector.broadcast %parallel_loop3A_843 : i32 to vector<16xi32>
      %parallel_loop3A_845 = arith.andi %parallel_loop3A_842, %parallel_loop3A_844 : vector<16xi32>
      %parallel_loop3A_846 = arith.constant 7 : i32
      %parallel_loop3A_847 = vector.broadcast %parallel_loop3A_846 : i32 to vector<16xi32>
      %parallel_loop3A_848 = arith.shrui %parallel_loop3A_842, %parallel_loop3A_847 : vector<16xi32>
      %parallel_loop3A_849 = arith.constant 4 : i32
      %parallel_loop3A_850 = arith.shrui %parallel_loop3A_838, %parallel_loop3A_849 : i32
      %parallel_loop3A_851 = vector.broadcast %parallel_loop3A_850 : i32 to vector<16xi32>
      %parallel_loop3A_852 = arith.addi %iota3A, %parallel_loop3A_851 : vector<16xi32>
      %parallel_loop3A_853 = arith.constant 7 : i32
      %parallel_loop3A_854 = vector.broadcast %parallel_loop3A_853 : i32 to vector<16xi32>
      %parallel_loop3A_855 = arith.andi %parallel_loop3A_852, %parallel_loop3A_854 : vector<16xi32>
      %parallel_loop3A_856 = tpu.vector_load_idx %arg9[%parallel_loop3A_845] : memref<128xf32, #tpu.memory_space<vmem>>[vector<16xi32>], vector<16xf32>,
      %parallel_loop3A_857 = tpu.vector_load_idx %arg10[%parallel_loop3A_845] : memref<128xf32, #tpu.memory_space<vmem>>[vector<16xi32>], vector<16xf32>,
      %parallel_loop3A_858 = arith.constant 1025 : i32
      %parallel_loop3A_859 = vector.broadcast %parallel_loop3A_858 : i32 to vector<16xi32>
      %parallel_loop3A_860 = arith.muli %parallel_loop3A_855, %parallel_loop3A_859 : vector<16xi32>
      %parallel_loop3A_861 = arith.addi %parallel_loop3A_860, %parallel_loop3A_848 : vector<16xi32>
      %parallel_loop3A_862 = arith.mulf %parallel_loop3A_840, %parallel_loop3A_856 : vector<16xf32>
      %parallel_loop3A_863 = arith.addf %parallel_loop3A_862, %parallel_loop3A_857 : vector<16xf32>
      tpu.vector_store_idx %arg11[%parallel_loop3A_861], %parallel_loop3A_863 {add = true} : memref<8200xf32, #tpu.memory_space<vmem>>[vector<16xi32>], vector<16xf32>,
    } {sc.loop_unroll_factor = 4 : i64, sc.parallel_access}
    %parallel_loop3A_127 = arith.constant 0 : i32
    %parallel_loop3A_128 = arith.constant 1024 : i32
    %parallel_loop3A_129 = arith.constant 16 : i32
    scf.for %parallel_loop3A_838 = %parallel_loop3A_127 to %parallel_loop3A_128 step %parallel_loop3A_129  : i32 {
      %parallel_loop3A_839 = arith.constant 0 : i32
      %parallel_loop3A_840 = arith.addi %parallel_loop3A_839, %parallel_loop3A_838 : i32
      %parallel_loop3A_841 = arith.index_cast %parallel_loop3A_840 : i32 to index
      %parallel_loop3A_842 = tpu.vector_load %arg11[%parallel_loop3A_841] {strides = array<i32>} : memref<8200xf32, #tpu.memory_space<vmem>>, vector<16xf32>,
      %parallel_loop3A_843 = arith.constant 1025 : i32
      %parallel_loop3A_844 = arith.addi %parallel_loop3A_843, %parallel_loop3A_838 : i32
      %parallel_loop3A_845 = arith.index_cast %parallel_loop3A_844 : i32 to index
      %parallel_loop3A_846 = tpu.vector_load %arg11[%parallel_loop3A_845] {strides = array<i32>} : memref<8200xf32, #tpu.memory_space<vmem>>, vector<16xf32>,
      %parallel_loop3A_847 = arith.constant 2050 : i32
      %parallel_loop3A_848 = arith.addi %parallel_loop3A_847, %parallel_loop3A_838 : i32
      %parallel_loop3A_849 = arith.index_cast %parallel_loop3A_848 : i32 to index
      %parallel_loop3A_850 = tpu.vector_load %arg11[%parallel_loop3A_849] {strides = array<i32>} : memref<8200xf32, #tpu.memory_space<vmem>>, vector<16xf32>,
      %parallel_loop3A_851 = arith.constant 3075 : i32
      %parallel_loop3A_852 = arith.addi %parallel_loop3A_851, %parallel_loop3A_838 : i32
      %parallel_loop3A_853 = arith.index_cast %parallel_loop3A_852 : i32 to index
      %parallel_loop3A_854 = tpu.vector_load %arg11[%parallel_loop3A_853] {strides = array<i32>} : memref<8200xf32, #tpu.memory_space<vmem>>, vector<16xf32>,
      %parallel_loop3A_855 = arith.constant 4100 : i32
      %parallel_loop3A_856 = arith.addi %parallel_loop3A_855, %parallel_loop3A_838 : i32
      %parallel_loop3A_857 = arith.index_cast %parallel_loop3A_856 : i32 to index
      %parallel_loop3A_858 = tpu.vector_load %arg11[%parallel_loop3A_857] {strides = array<i32>} : memref<8200xf32, #tpu.memory_space<vmem>>, vector<16xf32>,
      %parallel_loop3A_859 = arith.constant 5125 : i32
      %parallel_loop3A_860 = arith.addi %parallel_loop3A_859, %parallel_loop3A_838 : i32
      %parallel_loop3A_861 = arith.index_cast %parallel_loop3A_860 : i32 to index
      %parallel_loop3A_862 = tpu.vector_load %arg11[%parallel_loop3A_861] {strides = array<i32>} : memref<8200xf32, #tpu.memory_space<vmem>>, vector<16xf32>,
      %parallel_loop3A_863 = arith.constant 6150 : i32
      %parallel_loop3A_864 = arith.addi %parallel_loop3A_863, %parallel_loop3A_838 : i32
      %parallel_loop3A_865 = arith.index_cast %parallel_loop3A_864 : i32 to index
      %parallel_loop3A_866 = tpu.vector_load %arg11[%parallel_loop3A_865] {strides = array<i32>} : memref<8200xf32, #tpu.memory_space<vmem>>, vector<16xf32>,
      %parallel_loop3A_867 = arith.constant 7175 : i32
      %parallel_loop3A_868 = arith.addi %parallel_loop3A_867, %parallel_loop3A_838 : i32
      %parallel_loop3A_869 = arith.index_cast %parallel_loop3A_868 : i32 to index
      %parallel_loop3A_870 = tpu.vector_load %arg11[%parallel_loop3A_869] {strides = array<i32>} : memref<8200xf32, #tpu.memory_space<vmem>>, vector<16xf32>,
      %parallel_loop3A_871 = arith.addf %parallel_loop3A_842, %parallel_loop3A_846 : vector<16xf32>
      %parallel_loop3A_872 = arith.addf %parallel_loop3A_850, %parallel_loop3A_854 : vector<16xf32>
      %parallel_loop3A_873 = arith.addf %parallel_loop3A_858, %parallel_loop3A_862 : vector<16xf32>
      %parallel_loop3A_874 = arith.addf %parallel_loop3A_866, %parallel_loop3A_870 : vector<16xf32>
      %parallel_loop3A_875 = arith.addf %parallel_loop3A_871, %parallel_loop3A_872 : vector<16xf32>
      %parallel_loop3A_876 = arith.addf %parallel_loop3A_873, %parallel_loop3A_874 : vector<16xf32>
      %parallel_loop3A_877 = arith.addf %parallel_loop3A_875, %parallel_loop3A_876 : vector<16xf32>
      %parallel_loop3A_878 = arith.index_cast %parallel_loop3A_838 : i32 to index
      %parallel_loop3A_879 = tpu.vector_load %arg12[%parallel_loop3A_878] {strides = array<i32>} : memref<1024xf32, #tpu.memory_space<vmem>>, vector<16xf32>,
      tpu.vector_store %arg12[%parallel_loop3A_878], %parallel_loop3A_877 {strides = array<i32>} : memref<1024xf32, #tpu.memory_space<vmem>>, vector<16xf32>,
    } {sc.loop_unroll_factor = 2 : i64, sc.parallel_access}
    "tpu.region"() ({
      %run_scoped3A_838 = tpu.sem_alloc : memref<!tpu.dma_semaphore, #tpu.memory_space<semaphore_mem>>
      %dma_start3A_839 = arith.constant 0 : i32
      %dma_start3A_840 = tpu.memref_slice %arg15[%arg1, %dma_start3A_839] : memref<16x1024xf32, #tpu.memory_space<vmem_shared>> -> memref<1x1024xf32, #tpu.memory_space<vmem_shared>>
      %dma_start3A_841 = tpu.memref_squeeze %dma_start3A_840 : memref<1x1024xf32, #tpu.memory_space<vmem_shared>> -> memref<1024xf32, #tpu.memory_space<vmem_shared>>
      %dma_start3A_842 = arith.constant 0 : i32
      %dma_start3A_843 = tpu.memref_slice %arg15[%arg1, %dma_start3A_842] : memref<16x1024xf32, #tpu.memory_space<vmem_shared>> -> memref<1x1024xf32, #tpu.memory_space<vmem_shared>>
      %dma_start3A_844 = tpu.memref_squeeze %dma_start3A_843 : memref<1x1024xf32, #tpu.memory_space<vmem_shared>> -> memref<1024xf32, #tpu.memory_space<vmem_shared>>
      tpu.enqueue_dma source(%arg12 : memref<1024xf32, #tpu.memory_space<vmem>>) target(%dma_start3A_844 : memref<1024xf32, #tpu.memory_space<vmem_shared>>) target_semaphore(%run_scoped3A_838 : memref<!tpu.dma_semaphore, #tpu.memory_space<semaphore_mem>>)
      %dma_wait3A_845 = arith.constant 0 : i32
      %dma_wait3A_846 = tpu.memref_slice %arg15[%arg1, %dma_wait3A_845] : memref<16x1024xf32, #tpu.memory_space<vmem_shared>> -> memref<1x1024xf32, #tpu.memory_space<vmem_shared>>
      %dma_wait3A_847 = tpu.memref_squeeze %dma_wait3A_846 : memref<1x1024xf32, #tpu.memory_space<vmem_shared>> -> memref<1024xf32, #tpu.memory_space<vmem_shared>>
      %dma_wait3A_848 = arith.constant 0 : i32
      %dma_wait3A_849 = tpu.memref_slice %arg15[%arg1, %dma_wait3A_848] : memref<16x1024xf32, #tpu.memory_space<vmem_shared>> -> memref<1x1024xf32, #tpu.memory_space<vmem_shared>>
      %dma_wait3A_850 = tpu.memref_squeeze %dma_wait3A_849 : memref<1x1024xf32, #tpu.memory_space<vmem_shared>> -> memref<1024xf32, #tpu.memory_space<vmem_shared>>
      tpu.wait_dma2 semaphore(%run_scoped3A_838 : memref<!tpu.dma_semaphore, #tpu.memory_space<semaphore_mem>>) src(%arg12 : memref<1024xf32, #tpu.memory_space<vmem>>) dst(%dma_wait3A_850 : memref<1024xf32, #tpu.memory_space<vmem_shared>>)
      tpu.yield
    }) : () -> ()
    %barrier3A = arith.constant 0 : index
    tpu.barrier barrier_id(%barrier3A)
    %mul3A_130 = arith.constant 64 : i32
    %mul3A_131 = arith.muli %arg1, %mul3A_130 : i32
    %dma_start3A_132 = arith.constant 0 : i32
    %dma_start3A_133 = arith.constant 0 : i32
    %dma_start3A_134 = arith.constant 0 : i32
    %dma_start3A_135 = tpu.memref_slice %arg13[%dma_start3A_133, %dma_start3A_134] : memref<16x64xf32, #tpu.memory_space<vmem>> -> memref<1x64xf32, #tpu.memory_space<vmem>>
    %dma_start3A_136 = tpu.memref_squeeze %dma_start3A_135 : memref<1x64xf32, #tpu.memory_space<vmem>> -> memref<64xf32, #tpu.memory_space<vmem>>
    %dma_start3A_137 = tpu.memref_slice %arg15[%dma_start3A_132, %mul3A_131] : memref<16x1024xf32, #tpu.memory_space<vmem_shared>> -> memref<1x64xf32, #tpu.memory_space<vmem_shared>>
    %dma_start3A_138 = tpu.memref_squeeze %dma_start3A_137 : memref<1x64xf32, #tpu.memory_space<vmem_shared>> -> memref<64xf32, #tpu.memory_space<vmem_shared>>
    %dma_start3A_139 = arith.constant 0 : i32
    %dma_start3A_140 = tpu.memref_slice %arg13[%dma_start3A_133, %dma_start3A_139] : memref<16x64xf32, #tpu.memory_space<vmem>> -> memref<1x64xf32, #tpu.memory_space<vmem>>
    %dma_start3A_141 = tpu.memref_squeeze %dma_start3A_140 : memref<1x64xf32, #tpu.memory_space<vmem>> -> memref<64xf32, #tpu.memory_space<vmem>>
    %dma_start3A_142 = tpu.memref_slice %arg15[%dma_start3A_132, %mul3A_131] : memref<16x1024xf32, #tpu.memory_space<vmem_shared>> -> memref<1x64xf32, #tpu.memory_space<vmem_shared>>
    %dma_start3A_143 = tpu.memref_squeeze %dma_start3A_142 : memref<1x64xf32, #tpu.memory_space<vmem_shared>> -> memref<64xf32, #tpu.memory_space<vmem_shared>>
    tpu.enqueue_dma source(%dma_start3A_143 : memref<64xf32, #tpu.memory_space<vmem_shared>>) target(%dma_start3A_141 : memref<64xf32, #tpu.memory_space<vmem>>) target_semaphore(%arg16 : memref<!tpu.dma_semaphore, #tpu.memory_space<semaphore_mem>>)
    %dma_start3A_144 = arith.constant 1 : i32
    %dma_start3A_145 = arith.constant 1 : i32
    %dma_start3A_146 = arith.constant 0 : i32
    %dma_start3A_147 = tpu.memref_slice %arg13[%dma_start3A_145, %dma_start3A_146] : memref<16x64xf32, #tpu.memory_space<vmem>> -> memref<1x64xf32, #tpu.memory_space<vmem>>
    %dma_start3A_148 = tpu.memref_squeeze %dma_start3A_147 : memref<1x64xf32, #tpu.memory_space<vmem>> -> memref<64xf32, #tpu.memory_space<vmem>>
    %dma_start3A_149 = tpu.memref_slice %arg15[%dma_start3A_144, %mul3A_131] : memref<16x1024xf32, #tpu.memory_space<vmem_shared>> -> memref<1x64xf32, #tpu.memory_space<vmem_shared>>
    %dma_start3A_150 = tpu.memref_squeeze %dma_start3A_149 : memref<1x64xf32, #tpu.memory_space<vmem_shared>> -> memref<64xf32, #tpu.memory_space<vmem_shared>>
    %dma_start3A_151 = arith.constant 0 : i32
    %dma_start3A_152 = tpu.memref_slice %arg13[%dma_start3A_145, %dma_start3A_151] : memref<16x64xf32, #tpu.memory_space<vmem>> -> memref<1x64xf32, #tpu.memory_space<vmem>>
    %dma_start3A_153 = tpu.memref_squeeze %dma_start3A_152 : memref<1x64xf32, #tpu.memory_space<vmem>> -> memref<64xf32, #tpu.memory_space<vmem>>
    %dma_start3A_154 = tpu.memref_slice %arg15[%dma_start3A_144, %mul3A_131] : memref<16x1024xf32, #tpu.memory_space<vmem_shared>> -> memref<1x64xf32, #tpu.memory_space<vmem_shared>>
    %dma_start3A_155 = tpu.memref_squeeze %dma_start3A_154 : memref<1x64xf32, #tpu.memory_space<vmem_shared>> -> memref<64xf32, #tpu.memory_space<vmem_shared>>
    tpu.enqueue_dma source(%dma_start3A_155 : memref<64xf32, #tpu.memory_space<vmem_shared>>) target(%dma_start3A_153 : memref<64xf32, #tpu.memory_space<vmem>>) target_semaphore(%arg16 : memref<!tpu.dma_semaphore, #tpu.memory_space<semaphore_mem>>)
    %dma_start3A_156 = arith.constant 2 : i32
    %dma_start3A_157 = arith.constant 2 : i32
    %dma_start3A_158 = arith.constant 0 : i32
    %dma_start3A_159 = tpu.memref_slice %arg13[%dma_start3A_157, %dma_start3A_158] : memref<16x64xf32, #tpu.memory_space<vmem>> -> memref<1x64xf32, #tpu.memory_space<vmem>>
    %dma_start3A_160 = tpu.memref_squeeze %dma_start3A_159 : memref<1x64xf32, #tpu.memory_space<vmem>> -> memref<64xf32, #tpu.memory_space<vmem>>
    %dma_start3A_161 = tpu.memref_slice %arg15[%dma_start3A_156, %mul3A_131] : memref<16x1024xf32, #tpu.memory_space<vmem_shared>> -> memref<1x64xf32, #tpu.memory_space<vmem_shared>>
    %dma_start3A_162 = tpu.memref_squeeze %dma_start3A_161 : memref<1x64xf32, #tpu.memory_space<vmem_shared>> -> memref<64xf32, #tpu.memory_space<vmem_shared>>
    %dma_start3A_163 = arith.constant 0 : i32
    %dma_start3A_164 = tpu.memref_slice %arg13[%dma_start3A_157, %dma_start3A_163] : memref<16x64xf32, #tpu.memory_space<vmem>> -> memref<1x64xf32, #tpu.memory_space<vmem>>
    %dma_start3A_165 = tpu.memref_squeeze %dma_start3A_164 : memref<1x64xf32, #tpu.memory_space<vmem>> -> memref<64xf32, #tpu.memory_space<vmem>>
    %dma_start3A_166 = tpu.memref_slice %arg15[%dma_start3A_156, %mul3A_131] : memref<16x1024xf32, #tpu.memory_space<vmem_shared>> -> memref<1x64xf32, #tpu.memory_space<vmem_shared>>
    %dma_start3A_167 = tpu.memref_squeeze %dma_start3A_166 : memref<1x64xf32, #tpu.memory_space<vmem_shared>> -> memref<64xf32, #tpu.memory_space<vmem_shared>>
    tpu.enqueue_dma source(%dma_start3A_167 : memref<64xf32, #tpu.memory_space<vmem_shared>>) target(%dma_start3A_165 : memref<64xf32, #tpu.memory_space<vmem>>) target_semaphore(%arg16 : memref<!tpu.dma_semaphore, #tpu.memory_space<semaphore_mem>>)
    %dma_start3A_168 = arith.constant 3 : i32
    %dma_start3A_169 = arith.constant 3 : i32
    %dma_start3A_170 = arith.constant 0 : i32
    %dma_start3A_171 = tpu.memref_slice %arg13[%dma_start3A_169, %dma_start3A_170] : memref<16x64xf32, #tpu.memory_space<vmem>> -> memref<1x64xf32, #tpu.memory_space<vmem>>
    %dma_start3A_172 = tpu.memref_squeeze %dma_start3A_171 : memref<1x64xf32, #tpu.memory_space<vmem>> -> memref<64xf32, #tpu.memory_space<vmem>>
    %dma_start3A_173 = tpu.memref_slice %arg15[%dma_start3A_168, %mul3A_131] : memref<16x1024xf32, #tpu.memory_space<vmem_shared>> -> memref<1x64xf32, #tpu.memory_space<vmem_shared>>
    %dma_start3A_174 = tpu.memref_squeeze %dma_start3A_173 : memref<1x64xf32, #tpu.memory_space<vmem_shared>> -> memref<64xf32, #tpu.memory_space<vmem_shared>>
    %dma_start3A_175 = arith.constant 0 : i32
    %dma_start3A_176 = tpu.memref_slice %arg13[%dma_start3A_169, %dma_start3A_175] : memref<16x64xf32, #tpu.memory_space<vmem>> -> memref<1x64xf32, #tpu.memory_space<vmem>>
    %dma_start3A_177 = tpu.memref_squeeze %dma_start3A_176 : memref<1x64xf32, #tpu.memory_space<vmem>> -> memref<64xf32, #tpu.memory_space<vmem>>
    %dma_start3A_178 = tpu.memref_slice %arg15[%dma_start3A_168, %mul3A_131] : memref<16x1024xf32, #tpu.memory_space<vmem_shared>> -> memref<1x64xf32, #tpu.memory_space<vmem_shared>>
    %dma_start3A_179 = tpu.memref_squeeze %dma_start3A_178 : memref<1x64xf32, #tpu.memory_space<vmem_shared>> -> memref<64xf32, #tpu.memory_space<vmem_shared>>
    tpu.enqueue_dma source(%dma_start3A_179 : memref<64xf32, #tpu.memory_space<vmem_shared>>) target(%dma_start3A_177 : memref<64xf32, #tpu.memory_space<vmem>>) target_semaphore(%arg16 : memref<!tpu.dma_semaphore, #tpu.memory_space<semaphore_mem>>)
    %dma_start3A_180 = arith.constant 4 : i32
    %dma_start3A_181 = arith.constant 4 : i32
    %dma_start3A_182 = arith.constant 0 : i32
    %dma_start3A_183 = tpu.memref_slice %arg13[%dma_start3A_181, %dma_start3A_182] : memref<16x64xf32, #tpu.memory_space<vmem>> -> memref<1x64xf32, #tpu.memory_space<vmem>>
    %dma_start3A_184 = tpu.memref_squeeze %dma_start3A_183 : memref<1x64xf32, #tpu.memory_space<vmem>> -> memref<64xf32, #tpu.memory_space<vmem>>
    %dma_start3A_185 = tpu.memref_slice %arg15[%dma_start3A_180, %mul3A_131] : memref<16x1024xf32, #tpu.memory_space<vmem_shared>> -> memref<1x64xf32, #tpu.memory_space<vmem_shared>>
    %dma_start3A_186 = tpu.memref_squeeze %dma_start3A_185 : memref<1x64xf32, #tpu.memory_space<vmem_shared>> -> memref<64xf32, #tpu.memory_space<vmem_shared>>
    %dma_start3A_187 = arith.constant 0 : i32
    %dma_start3A_188 = tpu.memref_slice %arg13[%dma_start3A_181, %dma_start3A_187] : memref<16x64xf32, #tpu.memory_space<vmem>> -> memref<1x64xf32, #tpu.memory_space<vmem>>
    %dma_start3A_189 = tpu.memref_squeeze %dma_start3A_188 : memref<1x64xf32, #tpu.memory_space<vmem>> -> memref<64xf32, #tpu.memory_space<vmem>>
    %dma_start3A_190 = tpu.memref_slice %arg15[%dma_start3A_180, %mul3A_131] : memref<16x1024xf32, #tpu.memory_space<vmem_shared>> -> memref<1x64xf32, #tpu.memory_space<vmem_shared>>
    %dma_start3A_191 = tpu.memref_squeeze %dma_start3A_190 : memref<1x64xf32, #tpu.memory_space<vmem_shared>> -> memref<64xf32, #tpu.memory_space<vmem_shared>>
    tpu.enqueue_dma source(%dma_start3A_191 : memref<64xf32, #tpu.memory_space<vmem_shared>>) target(%dma_start3A_189 : memref<64xf32, #tpu.memory_space<vmem>>) target_semaphore(%arg16 : memref<!tpu.dma_semaphore, #tpu.memory_space<semaphore_mem>>)
    %dma_start3A_192 = arith.constant 5 : i32
    %dma_start3A_193 = arith.constant 5 : i32
    %dma_start3A_194 = arith.constant 0 : i32
    %dma_start3A_195 = tpu.memref_slice %arg13[%dma_start3A_193, %dma_start3A_194] : memref<16x64xf32, #tpu.memory_space<vmem>> -> memref<1x64xf32, #tpu.memory_space<vmem>>
    %dma_start3A_196 = tpu.memref_squeeze %dma_start3A_195 : memref<1x64xf32, #tpu.memory_space<vmem>> -> memref<64xf32, #tpu.memory_space<vmem>>
    %dma_start3A_197 = tpu.memref_slice %arg15[%dma_start3A_192, %mul3A_131] : memref<16x1024xf32, #tpu.memory_space<vmem_shared>> -> memref<1x64xf32, #tpu.memory_space<vmem_shared>>
    %dma_start3A_198 = tpu.memref_squeeze %dma_start3A_197 : memref<1x64xf32, #tpu.memory_space<vmem_shared>> -> memref<64xf32, #tpu.memory_space<vmem_shared>>
    %dma_start3A_199 = arith.constant 0 : i32
    %dma_start3A_200 = tpu.memref_slice %arg13[%dma_start3A_193, %dma_start3A_199] : memref<16x64xf32, #tpu.memory_space<vmem>> -> memref<1x64xf32, #tpu.memory_space<vmem>>
    %dma_start3A_201 = tpu.memref_squeeze %dma_start3A_200 : memref<1x64xf32, #tpu.memory_space<vmem>> -> memref<64xf32, #tpu.memory_space<vmem>>
    %dma_start3A_202 = tpu.memref_slice %arg15[%dma_start3A_192, %mul3A_131] : memref<16x1024xf32, #tpu.memory_space<vmem_shared>> -> memref<1x64xf32, #tpu.memory_space<vmem_shared>>
    %dma_start3A_203 = tpu.memref_squeeze %dma_start3A_202 : memref<1x64xf32, #tpu.memory_space<vmem_shared>> -> memref<64xf32, #tpu.memory_space<vmem_shared>>
    tpu.enqueue_dma source(%dma_start3A_203 : memref<64xf32, #tpu.memory_space<vmem_shared>>) target(%dma_start3A_201 : memref<64xf32, #tpu.memory_space<vmem>>) target_semaphore(%arg16 : memref<!tpu.dma_semaphore, #tpu.memory_space<semaphore_mem>>)
    %dma_start3A_204 = arith.constant 6 : i32
    %dma_start3A_205 = arith.constant 6 : i32
    %dma_start3A_206 = arith.constant 0 : i32
    %dma_start3A_207 = tpu.memref_slice %arg13[%dma_start3A_205, %dma_start3A_206] : memref<16x64xf32, #tpu.memory_space<vmem>> -> memref<1x64xf32, #tpu.memory_space<vmem>>
    %dma_start3A_208 = tpu.memref_squeeze %dma_start3A_207 : memref<1x64xf32, #tpu.memory_space<vmem>> -> memref<64xf32, #tpu.memory_space<vmem>>
    %dma_start3A_209 = tpu.memref_slice %arg15[%dma_start3A_204, %mul3A_131] : memref<16x1024xf32, #tpu.memory_space<vmem_shared>> -> memref<1x64xf32, #tpu.memory_space<vmem_shared>>
    %dma_start3A_210 = tpu.memref_squeeze %dma_start3A_209 : memref<1x64xf32, #tpu.memory_space<vmem_shared>> -> memref<64xf32, #tpu.memory_space<vmem_shared>>
    %dma_start3A_211 = arith.constant 0 : i32
    %dma_start3A_212 = tpu.memref_slice %arg13[%dma_start3A_205, %dma_start3A_211] : memref<16x64xf32, #tpu.memory_space<vmem>> -> memref<1x64xf32, #tpu.memory_space<vmem>>
    %dma_start3A_213 = tpu.memref_squeeze %dma_start3A_212 : memref<1x64xf32, #tpu.memory_space<vmem>> -> memref<64xf32, #tpu.memory_space<vmem>>
    %dma_start3A_214 = tpu.memref_slice %arg15[%dma_start3A_204, %mul3A_131] : memref<16x1024xf32, #tpu.memory_space<vmem_shared>> -> memref<1x64xf32, #tpu.memory_space<vmem_shared>>
    %dma_start3A_215 = tpu.memref_squeeze %dma_start3A_214 : memref<1x64xf32, #tpu.memory_space<vmem_shared>> -> memref<64xf32, #tpu.memory_space<vmem_shared>>
    tpu.enqueue_dma source(%dma_start3A_215 : memref<64xf32, #tpu.memory_space<vmem_shared>>) target(%dma_start3A_213 : memref<64xf32, #tpu.memory_space<vmem>>) target_semaphore(%arg16 : memref<!tpu.dma_semaphore, #tpu.memory_space<semaphore_mem>>)
    %dma_start3A_216 = arith.constant 7 : i32
    %dma_start3A_217 = arith.constant 7 : i32
    %dma_start3A_218 = arith.constant 0 : i32
    %dma_start3A_219 = tpu.memref_slice %arg13[%dma_start3A_217, %dma_start3A_218] : memref<16x64xf32, #tpu.memory_space<vmem>> -> memref<1x64xf32, #tpu.memory_space<vmem>>
    %dma_start3A_220 = tpu.memref_squeeze %dma_start3A_219 : memref<1x64xf32, #tpu.memory_space<vmem>> -> memref<64xf32, #tpu.memory_space<vmem>>
    %dma_start3A_221 = tpu.memref_slice %arg15[%dma_start3A_216, %mul3A_131] : memref<16x1024xf32, #tpu.memory_space<vmem_shared>> -> memref<1x64xf32, #tpu.memory_space<vmem_shared>>
    %dma_start3A_222 = tpu.memref_squeeze %dma_start3A_221 : memref<1x64xf32, #tpu.memory_space<vmem_shared>> -> memref<64xf32, #tpu.memory_space<vmem_shared>>
    %dma_start3A_223 = arith.constant 0 : i32
    %dma_start3A_224 = tpu.memref_slice %arg13[%dma_start3A_217, %dma_start3A_223] : memref<16x64xf32, #tpu.memory_space<vmem>> -> memref<1x64xf32, #tpu.memory_space<vmem>>
    %dma_start3A_225 = tpu.memref_squeeze %dma_start3A_224 : memref<1x64xf32, #tpu.memory_space<vmem>> -> memref<64xf32, #tpu.memory_space<vmem>>
    %dma_start3A_226 = tpu.memref_slice %arg15[%dma_start3A_216, %mul3A_131] : memref<16x1024xf32, #tpu.memory_space<vmem_shared>> -> memref<1x64xf32, #tpu.memory_space<vmem_shared>>
    %dma_start3A_227 = tpu.memref_squeeze %dma_start3A_226 : memref<1x64xf32, #tpu.memory_space<vmem_shared>> -> memref<64xf32, #tpu.memory_space<vmem_shared>>
    tpu.enqueue_dma source(%dma_start3A_227 : memref<64xf32, #tpu.memory_space<vmem_shared>>) target(%dma_start3A_225 : memref<64xf32, #tpu.memory_space<vmem>>) target_semaphore(%arg16 : memref<!tpu.dma_semaphore, #tpu.memory_space<semaphore_mem>>)
    %dma_start3A_228 = arith.constant 8 : i32
    %dma_start3A_229 = arith.constant 8 : i32
    %dma_start3A_230 = arith.constant 0 : i32
    %dma_start3A_231 = tpu.memref_slice %arg13[%dma_start3A_229, %dma_start3A_230] : memref<16x64xf32, #tpu.memory_space<vmem>> -> memref<1x64xf32, #tpu.memory_space<vmem>>
    %dma_start3A_232 = tpu.memref_squeeze %dma_start3A_231 : memref<1x64xf32, #tpu.memory_space<vmem>> -> memref<64xf32, #tpu.memory_space<vmem>>
    %dma_start3A_233 = tpu.memref_slice %arg15[%dma_start3A_228, %mul3A_131] : memref<16x1024xf32, #tpu.memory_space<vmem_shared>> -> memref<1x64xf32, #tpu.memory_space<vmem_shared>>
    %dma_start3A_234 = tpu.memref_squeeze %dma_start3A_233 : memref<1x64xf32, #tpu.memory_space<vmem_shared>> -> memref<64xf32, #tpu.memory_space<vmem_shared>>
    %dma_start3A_235 = arith.constant 0 : i32
    %dma_start3A_236 = tpu.memref_slice %arg13[%dma_start3A_229, %dma_start3A_235] : memref<16x64xf32, #tpu.memory_space<vmem>> -> memref<1x64xf32, #tpu.memory_space<vmem>>
    %dma_start3A_237 = tpu.memref_squeeze %dma_start3A_236 : memref<1x64xf32, #tpu.memory_space<vmem>> -> memref<64xf32, #tpu.memory_space<vmem>>
    %dma_start3A_238 = tpu.memref_slice %arg15[%dma_start3A_228, %mul3A_131] : memref<16x1024xf32, #tpu.memory_space<vmem_shared>> -> memref<1x64xf32, #tpu.memory_space<vmem_shared>>
    %dma_start3A_239 = tpu.memref_squeeze %dma_start3A_238 : memref<1x64xf32, #tpu.memory_space<vmem_shared>> -> memref<64xf32, #tpu.memory_space<vmem_shared>>
    tpu.enqueue_dma source(%dma_start3A_239 : memref<64xf32, #tpu.memory_space<vmem_shared>>) target(%dma_start3A_237 : memref<64xf32, #tpu.memory_space<vmem>>) target_semaphore(%arg16 : memref<!tpu.dma_semaphore, #tpu.memory_space<semaphore_mem>>)
    %dma_start3A_240 = arith.constant 9 : i32
    %dma_start3A_241 = arith.constant 9 : i32
    %dma_start3A_242 = arith.constant 0 : i32
    %dma_start3A_243 = tpu.memref_slice %arg13[%dma_start3A_241, %dma_start3A_242] : memref<16x64xf32, #tpu.memory_space<vmem>> -> memref<1x64xf32, #tpu.memory_space<vmem>>
    %dma_start3A_244 = tpu.memref_squeeze %dma_start3A_243 : memref<1x64xf32, #tpu.memory_space<vmem>> -> memref<64xf32, #tpu.memory_space<vmem>>
    %dma_start3A_245 = tpu.memref_slice %arg15[%dma_start3A_240, %mul3A_131] : memref<16x1024xf32, #tpu.memory_space<vmem_shared>> -> memref<1x64xf32, #tpu.memory_space<vmem_shared>>
    %dma_start3A_246 = tpu.memref_squeeze %dma_start3A_245 : memref<1x64xf32, #tpu.memory_space<vmem_shared>> -> memref<64xf32, #tpu.memory_space<vmem_shared>>
    %dma_start3A_247 = arith.constant 0 : i32
    %dma_start3A_248 = tpu.memref_slice %arg13[%dma_start3A_241, %dma_start3A_247] : memref<16x64xf32, #tpu.memory_space<vmem>> -> memref<1x64xf32, #tpu.memory_space<vmem>>
    %dma_start3A_249 = tpu.memref_squeeze %dma_start3A_248 : memref<1x64xf32, #tpu.memory_space<vmem>> -> memref<64xf32, #tpu.memory_space<vmem>>
    %dma_start3A_250 = tpu.memref_slice %arg15[%dma_start3A_240, %mul3A_131] : memref<16x1024xf32, #tpu.memory_space<vmem_shared>> -> memref<1x64xf32, #tpu.memory_space<vmem_shared>>
    %dma_start3A_251 = tpu.memref_squeeze %dma_start3A_250 : memref<1x64xf32, #tpu.memory_space<vmem_shared>> -> memref<64xf32, #tpu.memory_space<vmem_shared>>
    tpu.enqueue_dma source(%dma_start3A_251 : memref<64xf32, #tpu.memory_space<vmem_shared>>) target(%dma_start3A_249 : memref<64xf32, #tpu.memory_space<vmem>>) target_semaphore(%arg16 : memref<!tpu.dma_semaphore, #tpu.memory_space<semaphore_mem>>)
    %dma_start3A_252 = arith.constant 10 : i32
    %dma_start3A_253 = arith.constant 10 : i32
    %dma_start3A_254 = arith.constant 0 : i32
    %dma_start3A_255 = tpu.memref_slice %arg13[%dma_start3A_253, %dma_start3A_254] : memref<16x64xf32, #tpu.memory_space<vmem>> -> memref<1x64xf32, #tpu.memory_space<vmem>>
    %dma_start3A_256 = tpu.memref_squeeze %dma_start3A_255 : memref<1x64xf32, #tpu.memory_space<vmem>> -> memref<64xf32, #tpu.memory_space<vmem>>
    %dma_start3A_257 = tpu.memref_slice %arg15[%dma_start3A_252, %mul3A_131] : memref<16x1024xf32, #tpu.memory_space<vmem_shared>> -> memref<1x64xf32, #tpu.memory_space<vmem_shared>>
    %dma_start3A_258 = tpu.memref_squeeze %dma_start3A_257 : memref<1x64xf32, #tpu.memory_space<vmem_shared>> -> memref<64xf32, #tpu.memory_space<vmem_shared>>
    %dma_start3A_259 = arith.constant 0 : i32
    %dma_start3A_260 = tpu.memref_slice %arg13[%dma_start3A_253, %dma_start3A_259] : memref<16x64xf32, #tpu.memory_space<vmem>> -> memref<1x64xf32, #tpu.memory_space<vmem>>
    %dma_start3A_261 = tpu.memref_squeeze %dma_start3A_260 : memref<1x64xf32, #tpu.memory_space<vmem>> -> memref<64xf32, #tpu.memory_space<vmem>>
    %dma_start3A_262 = tpu.memref_slice %arg15[%dma_start3A_252, %mul3A_131] : memref<16x1024xf32, #tpu.memory_space<vmem_shared>> -> memref<1x64xf32, #tpu.memory_space<vmem_shared>>
    %dma_start3A_263 = tpu.memref_squeeze %dma_start3A_262 : memref<1x64xf32, #tpu.memory_space<vmem_shared>> -> memref<64xf32, #tpu.memory_space<vmem_shared>>
    tpu.enqueue_dma source(%dma_start3A_263 : memref<64xf32, #tpu.memory_space<vmem_shared>>) target(%dma_start3A_261 : memref<64xf32, #tpu.memory_space<vmem>>) target_semaphore(%arg16 : memref<!tpu.dma_semaphore, #tpu.memory_space<semaphore_mem>>)
    %dma_start3A_264 = arith.constant 11 : i32
    %dma_start3A_265 = arith.constant 11 : i32
    %dma_start3A_266 = arith.constant 0 : i32
    %dma_start3A_267 = tpu.memref_slice %arg13[%dma_start3A_265, %dma_start3A_266] : memref<16x64xf32, #tpu.memory_space<vmem>> -> memref<1x64xf32, #tpu.memory_space<vmem>>
    %dma_start3A_268 = tpu.memref_squeeze %dma_start3A_267 : memref<1x64xf32, #tpu.memory_space<vmem>> -> memref<64xf32, #tpu.memory_space<vmem>>
    %dma_start3A_269 = tpu.memref_slice %arg15[%dma_start3A_264, %mul3A_131] : memref<16x1024xf32, #tpu.memory_space<vmem_shared>> -> memref<1x64xf32, #tpu.memory_space<vmem_shared>>
    %dma_start3A_270 = tpu.memref_squeeze %dma_start3A_269 : memref<1x64xf32, #tpu.memory_space<vmem_shared>> -> memref<64xf32, #tpu.memory_space<vmem_shared>>
    %dma_start3A_271 = arith.constant 0 : i32
    %dma_start3A_272 = tpu.memref_slice %arg13[%dma_start3A_265, %dma_start3A_271] : memref<16x64xf32, #tpu.memory_space<vmem>> -> memref<1x64xf32, #tpu.memory_space<vmem>>
    %dma_start3A_273 = tpu.memref_squeeze %dma_start3A_272 : memref<1x64xf32, #tpu.memory_space<vmem>> -> memref<64xf32, #tpu.memory_space<vmem>>
    %dma_start3A_274 = tpu.memref_slice %arg15[%dma_start3A_264, %mul3A_131] : memref<16x1024xf32, #tpu.memory_space<vmem_shared>> -> memref<1x64xf32, #tpu.memory_space<vmem_shared>>
    %dma_start3A_275 = tpu.memref_squeeze %dma_start3A_274 : memref<1x64xf32, #tpu.memory_space<vmem_shared>> -> memref<64xf32, #tpu.memory_space<vmem_shared>>
    tpu.enqueue_dma source(%dma_start3A_275 : memref<64xf32, #tpu.memory_space<vmem_shared>>) target(%dma_start3A_273 : memref<64xf32, #tpu.memory_space<vmem>>) target_semaphore(%arg16 : memref<!tpu.dma_semaphore, #tpu.memory_space<semaphore_mem>>)
    %dma_start3A_276 = arith.constant 12 : i32
    %dma_start3A_277 = arith.constant 12 : i32
    %dma_start3A_278 = arith.constant 0 : i32
    %dma_start3A_279 = tpu.memref_slice %arg13[%dma_start3A_277, %dma_start3A_278] : memref<16x64xf32, #tpu.memory_space<vmem>> -> memref<1x64xf32, #tpu.memory_space<vmem>>
    %dma_start3A_280 = tpu.memref_squeeze %dma_start3A_279 : memref<1x64xf32, #tpu.memory_space<vmem>> -> memref<64xf32, #tpu.memory_space<vmem>>
    %dma_start3A_281 = tpu.memref_slice %arg15[%dma_start3A_276, %mul3A_131] : memref<16x1024xf32, #tpu.memory_space<vmem_shared>> -> memref<1x64xf32, #tpu.memory_space<vmem_shared>>
    %dma_start3A_282 = tpu.memref_squeeze %dma_start3A_281 : memref<1x64xf32, #tpu.memory_space<vmem_shared>> -> memref<64xf32, #tpu.memory_space<vmem_shared>>
    %dma_start3A_283 = arith.constant 0 : i32
    %dma_start3A_284 = tpu.memref_slice %arg13[%dma_start3A_277, %dma_start3A_283] : memref<16x64xf32, #tpu.memory_space<vmem>> -> memref<1x64xf32, #tpu.memory_space<vmem>>
    %dma_start3A_285 = tpu.memref_squeeze %dma_start3A_284 : memref<1x64xf32, #tpu.memory_space<vmem>> -> memref<64xf32, #tpu.memory_space<vmem>>
    %dma_start3A_286 = tpu.memref_slice %arg15[%dma_start3A_276, %mul3A_131] : memref<16x1024xf32, #tpu.memory_space<vmem_shared>> -> memref<1x64xf32, #tpu.memory_space<vmem_shared>>
    %dma_start3A_287 = tpu.memref_squeeze %dma_start3A_286 : memref<1x64xf32, #tpu.memory_space<vmem_shared>> -> memref<64xf32, #tpu.memory_space<vmem_shared>>
    tpu.enqueue_dma source(%dma_start3A_287 : memref<64xf32, #tpu.memory_space<vmem_shared>>) target(%dma_start3A_285 : memref<64xf32, #tpu.memory_space<vmem>>) target_semaphore(%arg16 : memref<!tpu.dma_semaphore, #tpu.memory_space<semaphore_mem>>)
    %dma_start3A_288 = arith.constant 13 : i32
    %dma_start3A_289 = arith.constant 13 : i32
    %dma_start3A_290 = arith.constant 0 : i32
    %dma_start3A_291 = tpu.memref_slice %arg13[%dma_start3A_289, %dma_start3A_290] : memref<16x64xf32, #tpu.memory_space<vmem>> -> memref<1x64xf32, #tpu.memory_space<vmem>>
    %dma_start3A_292 = tpu.memref_squeeze %dma_start3A_291 : memref<1x64xf32, #tpu.memory_space<vmem>> -> memref<64xf32, #tpu.memory_space<vmem>>
    %dma_start3A_293 = tpu.memref_slice %arg15[%dma_start3A_288, %mul3A_131] : memref<16x1024xf32, #tpu.memory_space<vmem_shared>> -> memref<1x64xf32, #tpu.memory_space<vmem_shared>>
    %dma_start3A_294 = tpu.memref_squeeze %dma_start3A_293 : memref<1x64xf32, #tpu.memory_space<vmem_shared>> -> memref<64xf32, #tpu.memory_space<vmem_shared>>
    %dma_start3A_295 = arith.constant 0 : i32
    %dma_start3A_296 = tpu.memref_slice %arg13[%dma_start3A_289, %dma_start3A_295] : memref<16x64xf32, #tpu.memory_space<vmem>> -> memref<1x64xf32, #tpu.memory_space<vmem>>
    %dma_start3A_297 = tpu.memref_squeeze %dma_start3A_296 : memref<1x64xf32, #tpu.memory_space<vmem>> -> memref<64xf32, #tpu.memory_space<vmem>>
    %dma_start3A_298 = tpu.memref_slice %arg15[%dma_start3A_288, %mul3A_131] : memref<16x1024xf32, #tpu.memory_space<vmem_shared>> -> memref<1x64xf32, #tpu.memory_space<vmem_shared>>
    %dma_start3A_299 = tpu.memref_squeeze %dma_start3A_298 : memref<1x64xf32, #tpu.memory_space<vmem_shared>> -> memref<64xf32, #tpu.memory_space<vmem_shared>>
    tpu.enqueue_dma source(%dma_start3A_299 : memref<64xf32, #tpu.memory_space<vmem_shared>>) target(%dma_start3A_297 : memref<64xf32, #tpu.memory_space<vmem>>) target_semaphore(%arg16 : memref<!tpu.dma_semaphore, #tpu.memory_space<semaphore_mem>>)
    %dma_start3A_300 = arith.constant 14 : i32
    %dma_start3A_301 = arith.constant 14 : i32
    %dma_start3A_302 = arith.constant 0 : i32
    %dma_start3A_303 = tpu.memref_slice %arg13[%dma_start3A_301, %dma_start3A_302] : memref<16x64xf32, #tpu.memory_space<vmem>> -> memref<1x64xf32, #tpu.memory_space<vmem>>
    %dma_start3A_304 = tpu.memref_squeeze %dma_start3A_303 : memref<1x64xf32, #tpu.memory_space<vmem>> -> memref<64xf32, #tpu.memory_space<vmem>>
    %dma_start3A_305 = tpu.memref_slice %arg15[%dma_start3A_300, %mul3A_131] : memref<16x1024xf32, #tpu.memory_space<vmem_shared>> -> memref<1x64xf32, #tpu.memory_space<vmem_shared>>
    %dma_start3A_306 = tpu.memref_squeeze %dma_start3A_305 : memref<1x64xf32, #tpu.memory_space<vmem_shared>> -> memref<64xf32, #tpu.memory_space<vmem_shared>>
    %dma_start3A_307 = arith.constant 0 : i32
    %dma_start3A_308 = tpu.memref_slice %arg13[%dma_start3A_301, %dma_start3A_307] : memref<16x64xf32, #tpu.memory_space<vmem>> -> memref<1x64xf32, #tpu.memory_space<vmem>>
    %dma_start3A_309 = tpu.memref_squeeze %dma_start3A_308 : memref<1x64xf32, #tpu.memory_space<vmem>> -> memref<64xf32, #tpu.memory_space<vmem>>
    %dma_start3A_310 = tpu.memref_slice %arg15[%dma_start3A_300, %mul3A_131] : memref<16x1024xf32, #tpu.memory_space<vmem_shared>> -> memref<1x64xf32, #tpu.memory_space<vmem_shared>>
    %dma_start3A_311 = tpu.memref_squeeze %dma_start3A_310 : memref<1x64xf32, #tpu.memory_space<vmem_shared>> -> memref<64xf32, #tpu.memory_space<vmem_shared>>
    tpu.enqueue_dma source(%dma_start3A_311 : memref<64xf32, #tpu.memory_space<vmem_shared>>) target(%dma_start3A_309 : memref<64xf32, #tpu.memory_space<vmem>>) target_semaphore(%arg16 : memref<!tpu.dma_semaphore, #tpu.memory_space<semaphore_mem>>)
    %dma_start3A_312 = arith.constant 15 : i32
    %dma_start3A_313 = arith.constant 15 : i32
    %dma_start3A_314 = arith.constant 0 : i32
    %dma_start3A_315 = tpu.memref_slice %arg13[%dma_start3A_313, %dma_start3A_314] : memref<16x64xf32, #tpu.memory_space<vmem>> -> memref<1x64xf32, #tpu.memory_space<vmem>>
    %dma_start3A_316 = tpu.memref_squeeze %dma_start3A_315 : memref<1x64xf32, #tpu.memory_space<vmem>> -> memref<64xf32, #tpu.memory_space<vmem>>
    %dma_start3A_317 = tpu.memref_slice %arg15[%dma_start3A_312, %mul3A_131] : memref<16x1024xf32, #tpu.memory_space<vmem_shared>> -> memref<1x64xf32, #tpu.memory_space<vmem_shared>>
    %dma_start3A_318 = tpu.memref_squeeze %dma_start3A_317 : memref<1x64xf32, #tpu.memory_space<vmem_shared>> -> memref<64xf32, #tpu.memory_space<vmem_shared>>
    %dma_start3A_319 = arith.constant 0 : i32
    %dma_start3A_320 = tpu.memref_slice %arg13[%dma_start3A_313, %dma_start3A_319] : memref<16x64xf32, #tpu.memory_space<vmem>> -> memref<1x64xf32, #tpu.memory_space<vmem>>
    %dma_start3A_321 = tpu.memref_squeeze %dma_start3A_320 : memref<1x64xf32, #tpu.memory_space<vmem>> -> memref<64xf32, #tpu.memory_space<vmem>>
    %dma_start3A_322 = tpu.memref_slice %arg15[%dma_start3A_312, %mul3A_131] : memref<16x1024xf32, #tpu.memory_space<vmem_shared>> -> memref<1x64xf32, #tpu.memory_space<vmem_shared>>
    %dma_start3A_323 = tpu.memref_squeeze %dma_start3A_322 : memref<1x64xf32, #tpu.memory_space<vmem_shared>> -> memref<64xf32, #tpu.memory_space<vmem_shared>>
    tpu.enqueue_dma source(%dma_start3A_323 : memref<64xf32, #tpu.memory_space<vmem_shared>>) target(%dma_start3A_321 : memref<64xf32, #tpu.memory_space<vmem>>) target_semaphore(%arg16 : memref<!tpu.dma_semaphore, #tpu.memory_space<semaphore_mem>>)
    %dma_wait3A_324 = arith.constant 0 : i32
    %dma_wait3A_325 = arith.constant 0 : i32
    %dma_wait3A_326 = arith.constant 0 : i32
    %dma_wait3A_327 = tpu.memref_slice %arg13[%dma_wait3A_325, %dma_wait3A_326] : memref<16x64xf32, #tpu.memory_space<vmem>> -> memref<1x64xf32, #tpu.memory_space<vmem>>
    %dma_wait3A_328 = tpu.memref_squeeze %dma_wait3A_327 : memref<1x64xf32, #tpu.memory_space<vmem>> -> memref<64xf32, #tpu.memory_space<vmem>>
    %dma_wait3A_329 = tpu.memref_slice %arg15[%dma_wait3A_324, %mul3A_131] : memref<16x1024xf32, #tpu.memory_space<vmem_shared>> -> memref<1x64xf32, #tpu.memory_space<vmem_shared>>
    %dma_wait3A_330 = tpu.memref_squeeze %dma_wait3A_329 : memref<1x64xf32, #tpu.memory_space<vmem_shared>> -> memref<64xf32, #tpu.memory_space<vmem_shared>>
    %dma_wait3A_331 = arith.constant 0 : i32
    %dma_wait3A_332 = tpu.memref_slice %arg13[%dma_wait3A_325, %dma_wait3A_331] : memref<16x64xf32, #tpu.memory_space<vmem>> -> memref<1x64xf32, #tpu.memory_space<vmem>>
    %dma_wait3A_333 = tpu.memref_squeeze %dma_wait3A_332 : memref<1x64xf32, #tpu.memory_space<vmem>> -> memref<64xf32, #tpu.memory_space<vmem>>
    %dma_wait3A_334 = tpu.memref_slice %arg15[%dma_wait3A_324, %mul3A_131] : memref<16x1024xf32, #tpu.memory_space<vmem_shared>> -> memref<1x64xf32, #tpu.memory_space<vmem_shared>>
    %dma_wait3A_335 = tpu.memref_squeeze %dma_wait3A_334 : memref<1x64xf32, #tpu.memory_space<vmem_shared>> -> memref<64xf32, #tpu.memory_space<vmem_shared>>
    tpu.wait_dma2 semaphore(%arg16 : memref<!tpu.dma_semaphore, #tpu.memory_space<semaphore_mem>>) src(%dma_wait3A_335 : memref<64xf32, #tpu.memory_space<vmem_shared>>) dst(%dma_wait3A_333 : memref<64xf32, #tpu.memory_space<vmem>>)
    %dma_wait3A_336 = arith.constant 1 : i32
    %dma_wait3A_337 = arith.constant 1 : i32
    %dma_wait3A_338 = arith.constant 0 : i32
    %dma_wait3A_339 = tpu.memref_slice %arg13[%dma_wait3A_337, %dma_wait3A_338] : memref<16x64xf32, #tpu.memory_space<vmem>> -> memref<1x64xf32, #tpu.memory_space<vmem>>
    %dma_wait3A_340 = tpu.memref_squeeze %dma_wait3A_339 : memref<1x64xf32, #tpu.memory_space<vmem>> -> memref<64xf32, #tpu.memory_space<vmem>>
    %dma_wait3A_341 = tpu.memref_slice %arg15[%dma_wait3A_336, %mul3A_131] : memref<16x1024xf32, #tpu.memory_space<vmem_shared>> -> memref<1x64xf32, #tpu.memory_space<vmem_shared>>
    %dma_wait3A_342 = tpu.memref_squeeze %dma_wait3A_341 : memref<1x64xf32, #tpu.memory_space<vmem_shared>> -> memref<64xf32, #tpu.memory_space<vmem_shared>>
    %dma_wait3A_343 = arith.constant 0 : i32
    %dma_wait3A_344 = tpu.memref_slice %arg13[%dma_wait3A_337, %dma_wait3A_343] : memref<16x64xf32, #tpu.memory_space<vmem>> -> memref<1x64xf32, #tpu.memory_space<vmem>>
    %dma_wait3A_345 = tpu.memref_squeeze %dma_wait3A_344 : memref<1x64xf32, #tpu.memory_space<vmem>> -> memref<64xf32, #tpu.memory_space<vmem>>
    %dma_wait3A_346 = tpu.memref_slice %arg15[%dma_wait3A_336, %mul3A_131] : memref<16x1024xf32, #tpu.memory_space<vmem_shared>> -> memref<1x64xf32, #tpu.memory_space<vmem_shared>>
    %dma_wait3A_347 = tpu.memref_squeeze %dma_wait3A_346 : memref<1x64xf32, #tpu.memory_space<vmem_shared>> -> memref<64xf32, #tpu.memory_space<vmem_shared>>
    tpu.wait_dma2 semaphore(%arg16 : memref<!tpu.dma_semaphore, #tpu.memory_space<semaphore_mem>>) src(%dma_wait3A_347 : memref<64xf32, #tpu.memory_space<vmem_shared>>) dst(%dma_wait3A_345 : memref<64xf32, #tpu.memory_space<vmem>>)
    %dma_wait3A_348 = arith.constant 2 : i32
    %dma_wait3A_349 = arith.constant 2 : i32
    %dma_wait3A_350 = arith.constant 0 : i32
    %dma_wait3A_351 = tpu.memref_slice %arg13[%dma_wait3A_349, %dma_wait3A_350] : memref<16x64xf32, #tpu.memory_space<vmem>> -> memref<1x64xf32, #tpu.memory_space<vmem>>
    %dma_wait3A_352 = tpu.memref_squeeze %dma_wait3A_351 : memref<1x64xf32, #tpu.memory_space<vmem>> -> memref<64xf32, #tpu.memory_space<vmem>>
    %dma_wait3A_353 = tpu.memref_slice %arg15[%dma_wait3A_348, %mul3A_131] : memref<16x1024xf32, #tpu.memory_space<vmem_shared>> -> memref<1x64xf32, #tpu.memory_space<vmem_shared>>
    %dma_wait3A_354 = tpu.memref_squeeze %dma_wait3A_353 : memref<1x64xf32, #tpu.memory_space<vmem_shared>> -> memref<64xf32, #tpu.memory_space<vmem_shared>>
    %dma_wait3A_355 = arith.constant 0 : i32
    %dma_wait3A_356 = tpu.memref_slice %arg13[%dma_wait3A_349, %dma_wait3A_355] : memref<16x64xf32, #tpu.memory_space<vmem>> -> memref<1x64xf32, #tpu.memory_space<vmem>>
    %dma_wait3A_357 = tpu.memref_squeeze %dma_wait3A_356 : memref<1x64xf32, #tpu.memory_space<vmem>> -> memref<64xf32, #tpu.memory_space<vmem>>
    %dma_wait3A_358 = tpu.memref_slice %arg15[%dma_wait3A_348, %mul3A_131] : memref<16x1024xf32, #tpu.memory_space<vmem_shared>> -> memref<1x64xf32, #tpu.memory_space<vmem_shared>>
    %dma_wait3A_359 = tpu.memref_squeeze %dma_wait3A_358 : memref<1x64xf32, #tpu.memory_space<vmem_shared>> -> memref<64xf32, #tpu.memory_space<vmem_shared>>
    tpu.wait_dma2 semaphore(%arg16 : memref<!tpu.dma_semaphore, #tpu.memory_space<semaphore_mem>>) src(%dma_wait3A_359 : memref<64xf32, #tpu.memory_space<vmem_shared>>) dst(%dma_wait3A_357 : memref<64xf32, #tpu.memory_space<vmem>>)
    %dma_wait3A_360 = arith.constant 3 : i32
    %dma_wait3A_361 = arith.constant 3 : i32
    %dma_wait3A_362 = arith.constant 0 : i32
    %dma_wait3A_363 = tpu.memref_slice %arg13[%dma_wait3A_361, %dma_wait3A_362] : memref<16x64xf32, #tpu.memory_space<vmem>> -> memref<1x64xf32, #tpu.memory_space<vmem>>
    %dma_wait3A_364 = tpu.memref_squeeze %dma_wait3A_363 : memref<1x64xf32, #tpu.memory_space<vmem>> -> memref<64xf32, #tpu.memory_space<vmem>>
    %dma_wait3A_365 = tpu.memref_slice %arg15[%dma_wait3A_360, %mul3A_131] : memref<16x1024xf32, #tpu.memory_space<vmem_shared>> -> memref<1x64xf32, #tpu.memory_space<vmem_shared>>
    %dma_wait3A_366 = tpu.memref_squeeze %dma_wait3A_365 : memref<1x64xf32, #tpu.memory_space<vmem_shared>> -> memref<64xf32, #tpu.memory_space<vmem_shared>>
    %dma_wait3A_367 = arith.constant 0 : i32
    %dma_wait3A_368 = tpu.memref_slice %arg13[%dma_wait3A_361, %dma_wait3A_367] : memref<16x64xf32, #tpu.memory_space<vmem>> -> memref<1x64xf32, #tpu.memory_space<vmem>>
    %dma_wait3A_369 = tpu.memref_squeeze %dma_wait3A_368 : memref<1x64xf32, #tpu.memory_space<vmem>> -> memref<64xf32, #tpu.memory_space<vmem>>
    %dma_wait3A_370 = tpu.memref_slice %arg15[%dma_wait3A_360, %mul3A_131] : memref<16x1024xf32, #tpu.memory_space<vmem_shared>> -> memref<1x64xf32, #tpu.memory_space<vmem_shared>>
    %dma_wait3A_371 = tpu.memref_squeeze %dma_wait3A_370 : memref<1x64xf32, #tpu.memory_space<vmem_shared>> -> memref<64xf32, #tpu.memory_space<vmem_shared>>
    tpu.wait_dma2 semaphore(%arg16 : memref<!tpu.dma_semaphore, #tpu.memory_space<semaphore_mem>>) src(%dma_wait3A_371 : memref<64xf32, #tpu.memory_space<vmem_shared>>) dst(%dma_wait3A_369 : memref<64xf32, #tpu.memory_space<vmem>>)
    %dma_wait3A_372 = arith.constant 4 : i32
    %dma_wait3A_373 = arith.constant 4 : i32
    %dma_wait3A_374 = arith.constant 0 : i32
    %dma_wait3A_375 = tpu.memref_slice %arg13[%dma_wait3A_373, %dma_wait3A_374] : memref<16x64xf32, #tpu.memory_space<vmem>> -> memref<1x64xf32, #tpu.memory_space<vmem>>
    %dma_wait3A_376 = tpu.memref_squeeze %dma_wait3A_375 : memref<1x64xf32, #tpu.memory_space<vmem>> -> memref<64xf32, #tpu.memory_space<vmem>>
    %dma_wait3A_377 = tpu.memref_slice %arg15[%dma_wait3A_372, %mul3A_131] : memref<16x1024xf32, #tpu.memory_space<vmem_shared>> -> memref<1x64xf32, #tpu.memory_space<vmem_shared>>
    %dma_wait3A_378 = tpu.memref_squeeze %dma_wait3A_377 : memref<1x64xf32, #tpu.memory_space<vmem_shared>> -> memref<64xf32, #tpu.memory_space<vmem_shared>>
    %dma_wait3A_379 = arith.constant 0 : i32
    %dma_wait3A_380 = tpu.memref_slice %arg13[%dma_wait3A_373, %dma_wait3A_379] : memref<16x64xf32, #tpu.memory_space<vmem>> -> memref<1x64xf32, #tpu.memory_space<vmem>>
    %dma_wait3A_381 = tpu.memref_squeeze %dma_wait3A_380 : memref<1x64xf32, #tpu.memory_space<vmem>> -> memref<64xf32, #tpu.memory_space<vmem>>
    %dma_wait3A_382 = tpu.memref_slice %arg15[%dma_wait3A_372, %mul3A_131] : memref<16x1024xf32, #tpu.memory_space<vmem_shared>> -> memref<1x64xf32, #tpu.memory_space<vmem_shared>>
    %dma_wait3A_383 = tpu.memref_squeeze %dma_wait3A_382 : memref<1x64xf32, #tpu.memory_space<vmem_shared>> -> memref<64xf32, #tpu.memory_space<vmem_shared>>
    tpu.wait_dma2 semaphore(%arg16 : memref<!tpu.dma_semaphore, #tpu.memory_space<semaphore_mem>>) src(%dma_wait3A_383 : memref<64xf32, #tpu.memory_space<vmem_shared>>) dst(%dma_wait3A_381 : memref<64xf32, #tpu.memory_space<vmem>>)
    %dma_wait3A_384 = arith.constant 5 : i32
    %dma_wait3A_385 = arith.constant 5 : i32
    %dma_wait3A_386 = arith.constant 0 : i32
    %dma_wait3A_387 = tpu.memref_slice %arg13[%dma_wait3A_385, %dma_wait3A_386] : memref<16x64xf32, #tpu.memory_space<vmem>> -> memref<1x64xf32, #tpu.memory_space<vmem>>
    %dma_wait3A_388 = tpu.memref_squeeze %dma_wait3A_387 : memref<1x64xf32, #tpu.memory_space<vmem>> -> memref<64xf32, #tpu.memory_space<vmem>>
    %dma_wait3A_389 = tpu.memref_slice %arg15[%dma_wait3A_384, %mul3A_131] : memref<16x1024xf32, #tpu.memory_space<vmem_shared>> -> memref<1x64xf32, #tpu.memory_space<vmem_shared>>
    %dma_wait3A_390 = tpu.memref_squeeze %dma_wait3A_389 : memref<1x64xf32, #tpu.memory_space<vmem_shared>> -> memref<64xf32, #tpu.memory_space<vmem_shared>>
    %dma_wait3A_391 = arith.constant 0 : i32
    %dma_wait3A_392 = tpu.memref_slice %arg13[%dma_wait3A_385, %dma_wait3A_391] : memref<16x64xf32, #tpu.memory_space<vmem>> -> memref<1x64xf32, #tpu.memory_space<vmem>>
    %dma_wait3A_393 = tpu.memref_squeeze %dma_wait3A_392 : memref<1x64xf32, #tpu.memory_space<vmem>> -> memref<64xf32, #tpu.memory_space<vmem>>
    %dma_wait3A_394 = tpu.memref_slice %arg15[%dma_wait3A_384, %mul3A_131] : memref<16x1024xf32, #tpu.memory_space<vmem_shared>> -> memref<1x64xf32, #tpu.memory_space<vmem_shared>>
    %dma_wait3A_395 = tpu.memref_squeeze %dma_wait3A_394 : memref<1x64xf32, #tpu.memory_space<vmem_shared>> -> memref<64xf32, #tpu.memory_space<vmem_shared>>
    tpu.wait_dma2 semaphore(%arg16 : memref<!tpu.dma_semaphore, #tpu.memory_space<semaphore_mem>>) src(%dma_wait3A_395 : memref<64xf32, #tpu.memory_space<vmem_shared>>) dst(%dma_wait3A_393 : memref<64xf32, #tpu.memory_space<vmem>>)
    %dma_wait3A_396 = arith.constant 6 : i32
    %dma_wait3A_397 = arith.constant 6 : i32
    %dma_wait3A_398 = arith.constant 0 : i32
    %dma_wait3A_399 = tpu.memref_slice %arg13[%dma_wait3A_397, %dma_wait3A_398] : memref<16x64xf32, #tpu.memory_space<vmem>> -> memref<1x64xf32, #tpu.memory_space<vmem>>
    %dma_wait3A_400 = tpu.memref_squeeze %dma_wait3A_399 : memref<1x64xf32, #tpu.memory_space<vmem>> -> memref<64xf32, #tpu.memory_space<vmem>>
    %dma_wait3A_401 = tpu.memref_slice %arg15[%dma_wait3A_396, %mul3A_131] : memref<16x1024xf32, #tpu.memory_space<vmem_shared>> -> memref<1x64xf32, #tpu.memory_space<vmem_shared>>
    %dma_wait3A_402 = tpu.memref_squeeze %dma_wait3A_401 : memref<1x64xf32, #tpu.memory_space<vmem_shared>> -> memref<64xf32, #tpu.memory_space<vmem_shared>>
    %dma_wait3A_403 = arith.constant 0 : i32
    %dma_wait3A_404 = tpu.memref_slice %arg13[%dma_wait3A_397, %dma_wait3A_403] : memref<16x64xf32, #tpu.memory_space<vmem>> -> memref<1x64xf32, #tpu.memory_space<vmem>>
    %dma_wait3A_405 = tpu.memref_squeeze %dma_wait3A_404 : memref<1x64xf32, #tpu.memory_space<vmem>> -> memref<64xf32, #tpu.memory_space<vmem>>
    %dma_wait3A_406 = tpu.memref_slice %arg15[%dma_wait3A_396, %mul3A_131] : memref<16x1024xf32, #tpu.memory_space<vmem_shared>> -> memref<1x64xf32, #tpu.memory_space<vmem_shared>>
    %dma_wait3A_407 = tpu.memref_squeeze %dma_wait3A_406 : memref<1x64xf32, #tpu.memory_space<vmem_shared>> -> memref<64xf32, #tpu.memory_space<vmem_shared>>
    tpu.wait_dma2 semaphore(%arg16 : memref<!tpu.dma_semaphore, #tpu.memory_space<semaphore_mem>>) src(%dma_wait3A_407 : memref<64xf32, #tpu.memory_space<vmem_shared>>) dst(%dma_wait3A_405 : memref<64xf32, #tpu.memory_space<vmem>>)
    %dma_wait3A_408 = arith.constant 7 : i32
    %dma_wait3A_409 = arith.constant 7 : i32
    %dma_wait3A_410 = arith.constant 0 : i32
    %dma_wait3A_411 = tpu.memref_slice %arg13[%dma_wait3A_409, %dma_wait3A_410] : memref<16x64xf32, #tpu.memory_space<vmem>> -> memref<1x64xf32, #tpu.memory_space<vmem>>
    %dma_wait3A_412 = tpu.memref_squeeze %dma_wait3A_411 : memref<1x64xf32, #tpu.memory_space<vmem>> -> memref<64xf32, #tpu.memory_space<vmem>>
    %dma_wait3A_413 = tpu.memref_slice %arg15[%dma_wait3A_408, %mul3A_131] : memref<16x1024xf32, #tpu.memory_space<vmem_shared>> -> memref<1x64xf32, #tpu.memory_space<vmem_shared>>
    %dma_wait3A_414 = tpu.memref_squeeze %dma_wait3A_413 : memref<1x64xf32, #tpu.memory_space<vmem_shared>> -> memref<64xf32, #tpu.memory_space<vmem_shared>>
    %dma_wait3A_415 = arith.constant 0 : i32
    %dma_wait3A_416 = tpu.memref_slice %arg13[%dma_wait3A_409, %dma_wait3A_415] : memref<16x64xf32, #tpu.memory_space<vmem>> -> memref<1x64xf32, #tpu.memory_space<vmem>>
    %dma_wait3A_417 = tpu.memref_squeeze %dma_wait3A_416 : memref<1x64xf32, #tpu.memory_space<vmem>> -> memref<64xf32, #tpu.memory_space<vmem>>
    %dma_wait3A_418 = tpu.memref_slice %arg15[%dma_wait3A_408, %mul3A_131] : memref<16x1024xf32, #tpu.memory_space<vmem_shared>> -> memref<1x64xf32, #tpu.memory_space<vmem_shared>>
    %dma_wait3A_419 = tpu.memref_squeeze %dma_wait3A_418 : memref<1x64xf32, #tpu.memory_space<vmem_shared>> -> memref<64xf32, #tpu.memory_space<vmem_shared>>
    tpu.wait_dma2 semaphore(%arg16 : memref<!tpu.dma_semaphore, #tpu.memory_space<semaphore_mem>>) src(%dma_wait3A_419 : memref<64xf32, #tpu.memory_space<vmem_shared>>) dst(%dma_wait3A_417 : memref<64xf32, #tpu.memory_space<vmem>>)
    %dma_wait3A_420 = arith.constant 8 : i32
    %dma_wait3A_421 = arith.constant 8 : i32
    %dma_wait3A_422 = arith.constant 0 : i32
    %dma_wait3A_423 = tpu.memref_slice %arg13[%dma_wait3A_421, %dma_wait3A_422] : memref<16x64xf32, #tpu.memory_space<vmem>> -> memref<1x64xf32, #tpu.memory_space<vmem>>
    %dma_wait3A_424 = tpu.memref_squeeze %dma_wait3A_423 : memref<1x64xf32, #tpu.memory_space<vmem>> -> memref<64xf32, #tpu.memory_space<vmem>>
    %dma_wait3A_425 = tpu.memref_slice %arg15[%dma_wait3A_420, %mul3A_131] : memref<16x1024xf32, #tpu.memory_space<vmem_shared>> -> memref<1x64xf32, #tpu.memory_space<vmem_shared>>
    %dma_wait3A_426 = tpu.memref_squeeze %dma_wait3A_425 : memref<1x64xf32, #tpu.memory_space<vmem_shared>> -> memref<64xf32, #tpu.memory_space<vmem_shared>>
    %dma_wait3A_427 = arith.constant 0 : i32
    %dma_wait3A_428 = tpu.memref_slice %arg13[%dma_wait3A_421, %dma_wait3A_427] : memref<16x64xf32, #tpu.memory_space<vmem>> -> memref<1x64xf32, #tpu.memory_space<vmem>>
    %dma_wait3A_429 = tpu.memref_squeeze %dma_wait3A_428 : memref<1x64xf32, #tpu.memory_space<vmem>> -> memref<64xf32, #tpu.memory_space<vmem>>
    %dma_wait3A_430 = tpu.memref_slice %arg15[%dma_wait3A_420, %mul3A_131] : memref<16x1024xf32, #tpu.memory_space<vmem_shared>> -> memref<1x64xf32, #tpu.memory_space<vmem_shared>>
    %dma_wait3A_431 = tpu.memref_squeeze %dma_wait3A_430 : memref<1x64xf32, #tpu.memory_space<vmem_shared>> -> memref<64xf32, #tpu.memory_space<vmem_shared>>
    tpu.wait_dma2 semaphore(%arg16 : memref<!tpu.dma_semaphore, #tpu.memory_space<semaphore_mem>>) src(%dma_wait3A_431 : memref<64xf32, #tpu.memory_space<vmem_shared>>) dst(%dma_wait3A_429 : memref<64xf32, #tpu.memory_space<vmem>>)
    %dma_wait3A_432 = arith.constant 9 : i32
    %dma_wait3A_433 = arith.constant 9 : i32
    %dma_wait3A_434 = arith.constant 0 : i32
    %dma_wait3A_435 = tpu.memref_slice %arg13[%dma_wait3A_433, %dma_wait3A_434] : memref<16x64xf32, #tpu.memory_space<vmem>> -> memref<1x64xf32, #tpu.memory_space<vmem>>
    %dma_wait3A_436 = tpu.memref_squeeze %dma_wait3A_435 : memref<1x64xf32, #tpu.memory_space<vmem>> -> memref<64xf32, #tpu.memory_space<vmem>>
    %dma_wait3A_437 = tpu.memref_slice %arg15[%dma_wait3A_432, %mul3A_131] : memref<16x1024xf32, #tpu.memory_space<vmem_shared>> -> memref<1x64xf32, #tpu.memory_space<vmem_shared>>
    %dma_wait3A_438 = tpu.memref_squeeze %dma_wait3A_437 : memref<1x64xf32, #tpu.memory_space<vmem_shared>> -> memref<64xf32, #tpu.memory_space<vmem_shared>>
    %dma_wait3A_439 = arith.constant 0 : i32
    %dma_wait3A_440 = tpu.memref_slice %arg13[%dma_wait3A_433, %dma_wait3A_439] : memref<16x64xf32, #tpu.memory_space<vmem>> -> memref<1x64xf32, #tpu.memory_space<vmem>>
    %dma_wait3A_441 = tpu.memref_squeeze %dma_wait3A_440 : memref<1x64xf32, #tpu.memory_space<vmem>> -> memref<64xf32, #tpu.memory_space<vmem>>
    %dma_wait3A_442 = tpu.memref_slice %arg15[%dma_wait3A_432, %mul3A_131] : memref<16x1024xf32, #tpu.memory_space<vmem_shared>> -> memref<1x64xf32, #tpu.memory_space<vmem_shared>>
    %dma_wait3A_443 = tpu.memref_squeeze %dma_wait3A_442 : memref<1x64xf32, #tpu.memory_space<vmem_shared>> -> memref<64xf32, #tpu.memory_space<vmem_shared>>
    tpu.wait_dma2 semaphore(%arg16 : memref<!tpu.dma_semaphore, #tpu.memory_space<semaphore_mem>>) src(%dma_wait3A_443 : memref<64xf32, #tpu.memory_space<vmem_shared>>) dst(%dma_wait3A_441 : memref<64xf32, #tpu.memory_space<vmem>>)
    %dma_wait3A_444 = arith.constant 10 : i32
    %dma_wait3A_445 = arith.constant 10 : i32
    %dma_wait3A_446 = arith.constant 0 : i32
    %dma_wait3A_447 = tpu.memref_slice %arg13[%dma_wait3A_445, %dma_wait3A_446] : memref<16x64xf32, #tpu.memory_space<vmem>> -> memref<1x64xf32, #tpu.memory_space<vmem>>
    %dma_wait3A_448 = tpu.memref_squeeze %dma_wait3A_447 : memref<1x64xf32, #tpu.memory_space<vmem>> -> memref<64xf32, #tpu.memory_space<vmem>>
    %dma_wait3A_449 = tpu.memref_slice %arg15[%dma_wait3A_444, %mul3A_131] : memref<16x1024xf32, #tpu.memory_space<vmem_shared>> -> memref<1x64xf32, #tpu.memory_space<vmem_shared>>
    %dma_wait3A_450 = tpu.memref_squeeze %dma_wait3A_449 : memref<1x64xf32, #tpu.memory_space<vmem_shared>> -> memref<64xf32, #tpu.memory_space<vmem_shared>>
    %dma_wait3A_451 = arith.constant 0 : i32
    %dma_wait3A_452 = tpu.memref_slice %arg13[%dma_wait3A_445, %dma_wait3A_451] : memref<16x64xf32, #tpu.memory_space<vmem>> -> memref<1x64xf32, #tpu.memory_space<vmem>>
    %dma_wait3A_453 = tpu.memref_squeeze %dma_wait3A_452 : memref<1x64xf32, #tpu.memory_space<vmem>> -> memref<64xf32, #tpu.memory_space<vmem>>
    %dma_wait3A_454 = tpu.memref_slice %arg15[%dma_wait3A_444, %mul3A_131] : memref<16x1024xf32, #tpu.memory_space<vmem_shared>> -> memref<1x64xf32, #tpu.memory_space<vmem_shared>>
    %dma_wait3A_455 = tpu.memref_squeeze %dma_wait3A_454 : memref<1x64xf32, #tpu.memory_space<vmem_shared>> -> memref<64xf32, #tpu.memory_space<vmem_shared>>
    tpu.wait_dma2 semaphore(%arg16 : memref<!tpu.dma_semaphore, #tpu.memory_space<semaphore_mem>>) src(%dma_wait3A_455 : memref<64xf32, #tpu.memory_space<vmem_shared>>) dst(%dma_wait3A_453 : memref<64xf32, #tpu.memory_space<vmem>>)
    %dma_wait3A_456 = arith.constant 11 : i32
    %dma_wait3A_457 = arith.constant 11 : i32
    %dma_wait3A_458 = arith.constant 0 : i32
    %dma_wait3A_459 = tpu.memref_slice %arg13[%dma_wait3A_457, %dma_wait3A_458] : memref<16x64xf32, #tpu.memory_space<vmem>> -> memref<1x64xf32, #tpu.memory_space<vmem>>
    %dma_wait3A_460 = tpu.memref_squeeze %dma_wait3A_459 : memref<1x64xf32, #tpu.memory_space<vmem>> -> memref<64xf32, #tpu.memory_space<vmem>>
    %dma_wait3A_461 = tpu.memref_slice %arg15[%dma_wait3A_456, %mul3A_131] : memref<16x1024xf32, #tpu.memory_space<vmem_shared>> -> memref<1x64xf32, #tpu.memory_space<vmem_shared>>
    %dma_wait3A_462 = tpu.memref_squeeze %dma_wait3A_461 : memref<1x64xf32, #tpu.memory_space<vmem_shared>> -> memref<64xf32, #tpu.memory_space<vmem_shared>>
    %dma_wait3A_463 = arith.constant 0 : i32
    %dma_wait3A_464 = tpu.memref_slice %arg13[%dma_wait3A_457, %dma_wait3A_463] : memref<16x64xf32, #tpu.memory_space<vmem>> -> memref<1x64xf32, #tpu.memory_space<vmem>>
    %dma_wait3A_465 = tpu.memref_squeeze %dma_wait3A_464 : memref<1x64xf32, #tpu.memory_space<vmem>> -> memref<64xf32, #tpu.memory_space<vmem>>
    %dma_wait3A_466 = tpu.memref_slice %arg15[%dma_wait3A_456, %mul3A_131] : memref<16x1024xf32, #tpu.memory_space<vmem_shared>> -> memref<1x64xf32, #tpu.memory_space<vmem_shared>>
    %dma_wait3A_467 = tpu.memref_squeeze %dma_wait3A_466 : memref<1x64xf32, #tpu.memory_space<vmem_shared>> -> memref<64xf32, #tpu.memory_space<vmem_shared>>
    tpu.wait_dma2 semaphore(%arg16 : memref<!tpu.dma_semaphore, #tpu.memory_space<semaphore_mem>>) src(%dma_wait3A_467 : memref<64xf32, #tpu.memory_space<vmem_shared>>) dst(%dma_wait3A_465 : memref<64xf32, #tpu.memory_space<vmem>>)
    %dma_wait3A_468 = arith.constant 12 : i32
    %dma_wait3A_469 = arith.constant 12 : i32
    %dma_wait3A_470 = arith.constant 0 : i32
    %dma_wait3A_471 = tpu.memref_slice %arg13[%dma_wait3A_469, %dma_wait3A_470] : memref<16x64xf32, #tpu.memory_space<vmem>> -> memref<1x64xf32, #tpu.memory_space<vmem>>
    %dma_wait3A_472 = tpu.memref_squeeze %dma_wait3A_471 : memref<1x64xf32, #tpu.memory_space<vmem>> -> memref<64xf32, #tpu.memory_space<vmem>>
    %dma_wait3A_473 = tpu.memref_slice %arg15[%dma_wait3A_468, %mul3A_131] : memref<16x1024xf32, #tpu.memory_space<vmem_shared>> -> memref<1x64xf32, #tpu.memory_space<vmem_shared>>
    %dma_wait3A_474 = tpu.memref_squeeze %dma_wait3A_473 : memref<1x64xf32, #tpu.memory_space<vmem_shared>> -> memref<64xf32, #tpu.memory_space<vmem_shared>>
    %dma_wait3A_475 = arith.constant 0 : i32
    %dma_wait3A_476 = tpu.memref_slice %arg13[%dma_wait3A_469, %dma_wait3A_475] : memref<16x64xf32, #tpu.memory_space<vmem>> -> memref<1x64xf32, #tpu.memory_space<vmem>>
    %dma_wait3A_477 = tpu.memref_squeeze %dma_wait3A_476 : memref<1x64xf32, #tpu.memory_space<vmem>> -> memref<64xf32, #tpu.memory_space<vmem>>
    %dma_wait3A_478 = tpu.memref_slice %arg15[%dma_wait3A_468, %mul3A_131] : memref<16x1024xf32, #tpu.memory_space<vmem_shared>> -> memref<1x64xf32, #tpu.memory_space<vmem_shared>>
    %dma_wait3A_479 = tpu.memref_squeeze %dma_wait3A_478 : memref<1x64xf32, #tpu.memory_space<vmem_shared>> -> memref<64xf32, #tpu.memory_space<vmem_shared>>
    tpu.wait_dma2 semaphore(%arg16 : memref<!tpu.dma_semaphore, #tpu.memory_space<semaphore_mem>>) src(%dma_wait3A_479 : memref<64xf32, #tpu.memory_space<vmem_shared>>) dst(%dma_wait3A_477 : memref<64xf32, #tpu.memory_space<vmem>>)
    %dma_wait3A_480 = arith.constant 13 : i32
    %dma_wait3A_481 = arith.constant 13 : i32
    %dma_wait3A_482 = arith.constant 0 : i32
    %dma_wait3A_483 = tpu.memref_slice %arg13[%dma_wait3A_481, %dma_wait3A_482] : memref<16x64xf32, #tpu.memory_space<vmem>> -> memref<1x64xf32, #tpu.memory_space<vmem>>
    %dma_wait3A_484 = tpu.memref_squeeze %dma_wait3A_483 : memref<1x64xf32, #tpu.memory_space<vmem>> -> memref<64xf32, #tpu.memory_space<vmem>>
    %dma_wait3A_485 = tpu.memref_slice %arg15[%dma_wait3A_480, %mul3A_131] : memref<16x1024xf32, #tpu.memory_space<vmem_shared>> -> memref<1x64xf32, #tpu.memory_space<vmem_shared>>
    %dma_wait3A_486 = tpu.memref_squeeze %dma_wait3A_485 : memref<1x64xf32, #tpu.memory_space<vmem_shared>> -> memref<64xf32, #tpu.memory_space<vmem_shared>>
    %dma_wait3A_487 = arith.constant 0 : i32
    %dma_wait3A_488 = tpu.memref_slice %arg13[%dma_wait3A_481, %dma_wait3A_487] : memref<16x64xf32, #tpu.memory_space<vmem>> -> memref<1x64xf32, #tpu.memory_space<vmem>>
    %dma_wait3A_489 = tpu.memref_squeeze %dma_wait3A_488 : memref<1x64xf32, #tpu.memory_space<vmem>> -> memref<64xf32, #tpu.memory_space<vmem>>
    %dma_wait3A_490 = tpu.memref_slice %arg15[%dma_wait3A_480, %mul3A_131] : memref<16x1024xf32, #tpu.memory_space<vmem_shared>> -> memref<1x64xf32, #tpu.memory_space<vmem_shared>>
    %dma_wait3A_491 = tpu.memref_squeeze %dma_wait3A_490 : memref<1x64xf32, #tpu.memory_space<vmem_shared>> -> memref<64xf32, #tpu.memory_space<vmem_shared>>
    tpu.wait_dma2 semaphore(%arg16 : memref<!tpu.dma_semaphore, #tpu.memory_space<semaphore_mem>>) src(%dma_wait3A_491 : memref<64xf32, #tpu.memory_space<vmem_shared>>) dst(%dma_wait3A_489 : memref<64xf32, #tpu.memory_space<vmem>>)
    %dma_wait3A_492 = arith.constant 14 : i32
    %dma_wait3A_493 = arith.constant 14 : i32
    %dma_wait3A_494 = arith.constant 0 : i32
    %dma_wait3A_495 = tpu.memref_slice %arg13[%dma_wait3A_493, %dma_wait3A_494] : memref<16x64xf32, #tpu.memory_space<vmem>> -> memref<1x64xf32, #tpu.memory_space<vmem>>
    %dma_wait3A_496 = tpu.memref_squeeze %dma_wait3A_495 : memref<1x64xf32, #tpu.memory_space<vmem>> -> memref<64xf32, #tpu.memory_space<vmem>>
    %dma_wait3A_497 = tpu.memref_slice %arg15[%dma_wait3A_492, %mul3A_131] : memref<16x1024xf32, #tpu.memory_space<vmem_shared>> -> memref<1x64xf32, #tpu.memory_space<vmem_shared>>
    %dma_wait3A_498 = tpu.memref_squeeze %dma_wait3A_497 : memref<1x64xf32, #tpu.memory_space<vmem_shared>> -> memref<64xf32, #tpu.memory_space<vmem_shared>>
    %dma_wait3A_499 = arith.constant 0 : i32
    %dma_wait3A_500 = tpu.memref_slice %arg13[%dma_wait3A_493, %dma_wait3A_499] : memref<16x64xf32, #tpu.memory_space<vmem>> -> memref<1x64xf32, #tpu.memory_space<vmem>>
    %dma_wait3A_501 = tpu.memref_squeeze %dma_wait3A_500 : memref<1x64xf32, #tpu.memory_space<vmem>> -> memref<64xf32, #tpu.memory_space<vmem>>
    %dma_wait3A_502 = tpu.memref_slice %arg15[%dma_wait3A_492, %mul3A_131] : memref<16x1024xf32, #tpu.memory_space<vmem_shared>> -> memref<1x64xf32, #tpu.memory_space<vmem_shared>>
    %dma_wait3A_503 = tpu.memref_squeeze %dma_wait3A_502 : memref<1x64xf32, #tpu.memory_space<vmem_shared>> -> memref<64xf32, #tpu.memory_space<vmem_shared>>
    tpu.wait_dma2 semaphore(%arg16 : memref<!tpu.dma_semaphore, #tpu.memory_space<semaphore_mem>>) src(%dma_wait3A_503 : memref<64xf32, #tpu.memory_space<vmem_shared>>) dst(%dma_wait3A_501 : memref<64xf32, #tpu.memory_space<vmem>>)
    %dma_wait3A_504 = arith.constant 15 : i32
    %dma_wait3A_505 = arith.constant 15 : i32
    %dma_wait3A_506 = arith.constant 0 : i32
    %dma_wait3A_507 = tpu.memref_slice %arg13[%dma_wait3A_505, %dma_wait3A_506] : memref<16x64xf32, #tpu.memory_space<vmem>> -> memref<1x64xf32, #tpu.memory_space<vmem>>
    %dma_wait3A_508 = tpu.memref_squeeze %dma_wait3A_507 : memref<1x64xf32, #tpu.memory_space<vmem>> -> memref<64xf32, #tpu.memory_space<vmem>>
    %dma_wait3A_509 = tpu.memref_slice %arg15[%dma_wait3A_504, %mul3A_131] : memref<16x1024xf32, #tpu.memory_space<vmem_shared>> -> memref<1x64xf32, #tpu.memory_space<vmem_shared>>
    %dma_wait3A_510 = tpu.memref_squeeze %dma_wait3A_509 : memref<1x64xf32, #tpu.memory_space<vmem_shared>> -> memref<64xf32, #tpu.memory_space<vmem_shared>>
    %dma_wait3A_511 = arith.constant 0 : i32
    %dma_wait3A_512 = tpu.memref_slice %arg13[%dma_wait3A_505, %dma_wait3A_511] : memref<16x64xf32, #tpu.memory_space<vmem>> -> memref<1x64xf32, #tpu.memory_space<vmem>>
    %dma_wait3A_513 = tpu.memref_squeeze %dma_wait3A_512 : memref<1x64xf32, #tpu.memory_space<vmem>> -> memref<64xf32, #tpu.memory_space<vmem>>
    %dma_wait3A_514 = tpu.memref_slice %arg15[%dma_wait3A_504, %mul3A_131] : memref<16x1024xf32, #tpu.memory_space<vmem_shared>> -> memref<1x64xf32, #tpu.memory_space<vmem_shared>>
    %dma_wait3A_515 = tpu.memref_squeeze %dma_wait3A_514 : memref<1x64xf32, #tpu.memory_space<vmem_shared>> -> memref<64xf32, #tpu.memory_space<vmem_shared>>
    tpu.wait_dma2 semaphore(%arg16 : memref<!tpu.dma_semaphore, #tpu.memory_space<semaphore_mem>>) src(%dma_wait3A_515 : memref<64xf32, #tpu.memory_space<vmem_shared>>) dst(%dma_wait3A_513 : memref<64xf32, #tpu.memory_space<vmem>>)
    %get3A = arith.constant 0 : i32
    %get3A_516 = arith.index_cast %get3A : i32 to index
    %get3A_517 = arith.constant 0 : index
    %get3A_518 = tpu.vector_load %arg13[%get3A_516, %get3A_517] {strides = array<i32>} : memref<16x64xf32, #tpu.memory_space<vmem>>, vector<16xf32>,
    %get3A_519 = arith.constant 1 : i32
    %get3A_520 = arith.index_cast %get3A_519 : i32 to index
    %get3A_521 = arith.constant 0 : index
    %get3A_522 = tpu.vector_load %arg13[%get3A_520, %get3A_521] {strides = array<i32>} : memref<16x64xf32, #tpu.memory_space<vmem>>, vector<16xf32>,
    %get3A_523 = arith.constant 2 : i32
    %get3A_524 = arith.index_cast %get3A_523 : i32 to index
    %get3A_525 = arith.constant 0 : index
    %get3A_526 = tpu.vector_load %arg13[%get3A_524, %get3A_525] {strides = array<i32>} : memref<16x64xf32, #tpu.memory_space<vmem>>, vector<16xf32>,
    %get3A_527 = arith.constant 3 : i32
    %get3A_528 = arith.index_cast %get3A_527 : i32 to index
    %get3A_529 = arith.constant 0 : index
    %get3A_530 = tpu.vector_load %arg13[%get3A_528, %get3A_529] {strides = array<i32>} : memref<16x64xf32, #tpu.memory_space<vmem>>, vector<16xf32>,
    %get3A_531 = arith.constant 4 : i32
    %get3A_532 = arith.index_cast %get3A_531 : i32 to index
    %get3A_533 = arith.constant 0 : index
    %get3A_534 = tpu.vector_load %arg13[%get3A_532, %get3A_533] {strides = array<i32>} : memref<16x64xf32, #tpu.memory_space<vmem>>, vector<16xf32>,
    %get3A_535 = arith.constant 5 : i32
    %get3A_536 = arith.index_cast %get3A_535 : i32 to index
    %get3A_537 = arith.constant 0 : index
    %get3A_538 = tpu.vector_load %arg13[%get3A_536, %get3A_537] {strides = array<i32>} : memref<16x64xf32, #tpu.memory_space<vmem>>, vector<16xf32>,
    %get3A_539 = arith.constant 6 : i32
    %get3A_540 = arith.index_cast %get3A_539 : i32 to index
    %get3A_541 = arith.constant 0 : index
    %get3A_542 = tpu.vector_load %arg13[%get3A_540, %get3A_541] {strides = array<i32>} : memref<16x64xf32, #tpu.memory_space<vmem>>, vector<16xf32>,
    %get3A_543 = arith.constant 7 : i32
    %get3A_544 = arith.index_cast %get3A_543 : i32 to index
    %get3A_545 = arith.constant 0 : index
    %get3A_546 = tpu.vector_load %arg13[%get3A_544, %get3A_545] {strides = array<i32>} : memref<16x64xf32, #tpu.memory_space<vmem>>, vector<16xf32>,
    %get3A_547 = arith.constant 8 : i32
    %get3A_548 = arith.index_cast %get3A_547 : i32 to index
    %get3A_549 = arith.constant 0 : index
    %get3A_550 = tpu.vector_load %arg13[%get3A_548, %get3A_549] {strides = array<i32>} : memref<16x64xf32, #tpu.memory_space<vmem>>, vector<16xf32>,
    %get3A_551 = arith.constant 9 : i32
    %get3A_552 = arith.index_cast %get3A_551 : i32 to index
    %get3A_553 = arith.constant 0 : index
    %get3A_554 = tpu.vector_load %arg13[%get3A_552, %get3A_553] {strides = array<i32>} : memref<16x64xf32, #tpu.memory_space<vmem>>, vector<16xf32>,
    %get3A_555 = arith.constant 10 : i32
    %get3A_556 = arith.index_cast %get3A_555 : i32 to index
    %get3A_557 = arith.constant 0 : index
    %get3A_558 = tpu.vector_load %arg13[%get3A_556, %get3A_557] {strides = array<i32>} : memref<16x64xf32, #tpu.memory_space<vmem>>, vector<16xf32>,
    %get3A_559 = arith.constant 11 : i32
    %get3A_560 = arith.index_cast %get3A_559 : i32 to index
    %get3A_561 = arith.constant 0 : index
    %get3A_562 = tpu.vector_load %arg13[%get3A_560, %get3A_561] {strides = array<i32>} : memref<16x64xf32, #tpu.memory_space<vmem>>, vector<16xf32>,
    %get3A_563 = arith.constant 12 : i32
    %get3A_564 = arith.index_cast %get3A_563 : i32 to index
    %get3A_565 = arith.constant 0 : index
    %get3A_566 = tpu.vector_load %arg13[%get3A_564, %get3A_565] {strides = array<i32>} : memref<16x64xf32, #tpu.memory_space<vmem>>, vector<16xf32>,
    %get3A_567 = arith.constant 13 : i32
    %get3A_568 = arith.index_cast %get3A_567 : i32 to index
    %get3A_569 = arith.constant 0 : index
    %get3A_570 = tpu.vector_load %arg13[%get3A_568, %get3A_569] {strides = array<i32>} : memref<16x64xf32, #tpu.memory_space<vmem>>, vector<16xf32>,
    %get3A_571 = arith.constant 14 : i32
    %get3A_572 = arith.index_cast %get3A_571 : i32 to index
    %get3A_573 = arith.constant 0 : index
    %get3A_574 = tpu.vector_load %arg13[%get3A_572, %get3A_573] {strides = array<i32>} : memref<16x64xf32, #tpu.memory_space<vmem>>, vector<16xf32>,
    %get3A_575 = arith.constant 15 : i32
    %get3A_576 = arith.index_cast %get3A_575 : i32 to index
    %get3A_577 = arith.constant 0 : index
    %get3A_578 = tpu.vector_load %arg13[%get3A_576, %get3A_577] {strides = array<i32>} : memref<16x64xf32, #tpu.memory_space<vmem>>, vector<16xf32>,
    %add3A_579 = arith.addf %get3A_518, %get3A_522 : vector<16xf32>
    %add3A_580 = arith.addf %get3A_526, %get3A_530 : vector<16xf32>
    %add3A_581 = arith.addf %get3A_534, %get3A_538 : vector<16xf32>
    %add3A_582 = arith.addf %get3A_542, %get3A_546 : vector<16xf32>
    %add3A_583 = arith.addf %get3A_550, %get3A_554 : vector<16xf32>
    %add3A_584 = arith.addf %get3A_558, %get3A_562 : vector<16xf32>
    %add3A_585 = arith.addf %get3A_566, %get3A_570 : vector<16xf32>
    %add3A_586 = arith.addf %get3A_574, %get3A_578 : vector<16xf32>
    %add3A_587 = arith.addf %add3A_579, %add3A_580 : vector<16xf32>
    %add3A_588 = arith.addf %add3A_581, %add3A_582 : vector<16xf32>
    %add3A_589 = arith.addf %add3A_583, %add3A_584 : vector<16xf32>
    %add3A_590 = arith.addf %add3A_585, %add3A_586 : vector<16xf32>
    %add3A_591 = arith.addf %add3A_587, %add3A_588 : vector<16xf32>
    %add3A_592 = arith.addf %add3A_589, %add3A_590 : vector<16xf32>
    %add3A_593 = arith.addf %add3A_591, %add3A_592 : vector<16xf32>
    %swap3A = arith.constant 0 : index
    %swap3A_594 = tpu.vector_load %arg14[%swap3A] {strides = array<i32>} : memref<64xf32, #tpu.memory_space<vmem>>, vector<16xf32>,
    tpu.vector_store %arg14[%swap3A], %add3A_593 {strides = array<i32>} : memref<64xf32, #tpu.memory_space<vmem>>, vector<16xf32>,
    %get3A_595 = arith.constant 0 : i32
    %get3A_596 = arith.index_cast %get3A_595 : i32 to index
    %get3A_597 = arith.constant 16 : index
    %get3A_598 = tpu.vector_load %arg13[%get3A_596, %get3A_597] {strides = array<i32>} : memref<16x64xf32, #tpu.memory_space<vmem>>, vector<16xf32>,
    %get3A_599 = arith.constant 1 : i32
    %get3A_600 = arith.index_cast %get3A_599 : i32 to index
    %get3A_601 = arith.constant 16 : index
    %get3A_602 = tpu.vector_load %arg13[%get3A_600, %get3A_601] {strides = array<i32>} : memref<16x64xf32, #tpu.memory_space<vmem>>, vector<16xf32>,
    %get3A_603 = arith.constant 2 : i32
    %get3A_604 = arith.index_cast %get3A_603 : i32 to index
    %get3A_605 = arith.constant 16 : index
    %get3A_606 = tpu.vector_load %arg13[%get3A_604, %get3A_605] {strides = array<i32>} : memref<16x64xf32, #tpu.memory_space<vmem>>, vector<16xf32>,
    %get3A_607 = arith.constant 3 : i32
    %get3A_608 = arith.index_cast %get3A_607 : i32 to index
    %get3A_609 = arith.constant 16 : index
    %get3A_610 = tpu.vector_load %arg13[%get3A_608, %get3A_609] {strides = array<i32>} : memref<16x64xf32, #tpu.memory_space<vmem>>, vector<16xf32>,
    %get3A_611 = arith.constant 4 : i32
    %get3A_612 = arith.index_cast %get3A_611 : i32 to index
    %get3A_613 = arith.constant 16 : index
    %get3A_614 = tpu.vector_load %arg13[%get3A_612, %get3A_613] {strides = array<i32>} : memref<16x64xf32, #tpu.memory_space<vmem>>, vector<16xf32>,
    %get3A_615 = arith.constant 5 : i32
    %get3A_616 = arith.index_cast %get3A_615 : i32 to index
    %get3A_617 = arith.constant 16 : index
    %get3A_618 = tpu.vector_load %arg13[%get3A_616, %get3A_617] {strides = array<i32>} : memref<16x64xf32, #tpu.memory_space<vmem>>, vector<16xf32>,
    %get3A_619 = arith.constant 6 : i32
    %get3A_620 = arith.index_cast %get3A_619 : i32 to index
    %get3A_621 = arith.constant 16 : index
    %get3A_622 = tpu.vector_load %arg13[%get3A_620, %get3A_621] {strides = array<i32>} : memref<16x64xf32, #tpu.memory_space<vmem>>, vector<16xf32>,
    %get3A_623 = arith.constant 7 : i32
    %get3A_624 = arith.index_cast %get3A_623 : i32 to index
    %get3A_625 = arith.constant 16 : index
    %get3A_626 = tpu.vector_load %arg13[%get3A_624, %get3A_625] {strides = array<i32>} : memref<16x64xf32, #tpu.memory_space<vmem>>, vector<16xf32>,
    %get3A_627 = arith.constant 8 : i32
    %get3A_628 = arith.index_cast %get3A_627 : i32 to index
    %get3A_629 = arith.constant 16 : index
    %get3A_630 = tpu.vector_load %arg13[%get3A_628, %get3A_629] {strides = array<i32>} : memref<16x64xf32, #tpu.memory_space<vmem>>, vector<16xf32>,
    %get3A_631 = arith.constant 9 : i32
    %get3A_632 = arith.index_cast %get3A_631 : i32 to index
    %get3A_633 = arith.constant 16 : index
    %get3A_634 = tpu.vector_load %arg13[%get3A_632, %get3A_633] {strides = array<i32>} : memref<16x64xf32, #tpu.memory_space<vmem>>, vector<16xf32>,
    %get3A_635 = arith.constant 10 : i32
    %get3A_636 = arith.index_cast %get3A_635 : i32 to index
    %get3A_637 = arith.constant 16 : index
    %get3A_638 = tpu.vector_load %arg13[%get3A_636, %get3A_637] {strides = array<i32>} : memref<16x64xf32, #tpu.memory_space<vmem>>, vector<16xf32>,
    %get3A_639 = arith.constant 11 : i32
    %get3A_640 = arith.index_cast %get3A_639 : i32 to index
    %get3A_641 = arith.constant 16 : index
    %get3A_642 = tpu.vector_load %arg13[%get3A_640, %get3A_641] {strides = array<i32>} : memref<16x64xf32, #tpu.memory_space<vmem>>, vector<16xf32>,
    %get3A_643 = arith.constant 12 : i32
    %get3A_644 = arith.index_cast %get3A_643 : i32 to index
    %get3A_645 = arith.constant 16 : index
    %get3A_646 = tpu.vector_load %arg13[%get3A_644, %get3A_645] {strides = array<i32>} : memref<16x64xf32, #tpu.memory_space<vmem>>, vector<16xf32>,
    %get3A_647 = arith.constant 13 : i32
    %get3A_648 = arith.index_cast %get3A_647 : i32 to index
    %get3A_649 = arith.constant 16 : index
    %get3A_650 = tpu.vector_load %arg13[%get3A_648, %get3A_649] {strides = array<i32>} : memref<16x64xf32, #tpu.memory_space<vmem>>, vector<16xf32>,
    %get3A_651 = arith.constant 14 : i32
    %get3A_652 = arith.index_cast %get3A_651 : i32 to index
    %get3A_653 = arith.constant 16 : index
    %get3A_654 = tpu.vector_load %arg13[%get3A_652, %get3A_653] {strides = array<i32>} : memref<16x64xf32, #tpu.memory_space<vmem>>, vector<16xf32>,
    %get3A_655 = arith.constant 15 : i32
    %get3A_656 = arith.index_cast %get3A_655 : i32 to index
    %get3A_657 = arith.constant 16 : index
    %get3A_658 = tpu.vector_load %arg13[%get3A_656, %get3A_657] {strides = array<i32>} : memref<16x64xf32, #tpu.memory_space<vmem>>, vector<16xf32>,
    %add3A_659 = arith.addf %get3A_598, %get3A_602 : vector<16xf32>
    %add3A_660 = arith.addf %get3A_606, %get3A_610 : vector<16xf32>
    %add3A_661 = arith.addf %get3A_614, %get3A_618 : vector<16xf32>
    %add3A_662 = arith.addf %get3A_622, %get3A_626 : vector<16xf32>
    %add3A_663 = arith.addf %get3A_630, %get3A_634 : vector<16xf32>
    %add3A_664 = arith.addf %get3A_638, %get3A_642 : vector<16xf32>
    %add3A_665 = arith.addf %get3A_646, %get3A_650 : vector<16xf32>
    %add3A_666 = arith.addf %get3A_654, %get3A_658 : vector<16xf32>
    %add3A_667 = arith.addf %add3A_659, %add3A_660 : vector<16xf32>
    %add3A_668 = arith.addf %add3A_661, %add3A_662 : vector<16xf32>
    %add3A_669 = arith.addf %add3A_663, %add3A_664 : vector<16xf32>
    %add3A_670 = arith.addf %add3A_665, %add3A_666 : vector<16xf32>
    %add3A_671 = arith.addf %add3A_667, %add3A_668 : vector<16xf32>
    %add3A_672 = arith.addf %add3A_669, %add3A_670 : vector<16xf32>
    %add3A_673 = arith.addf %add3A_671, %add3A_672 : vector<16xf32>
    %swap3A_674 = arith.constant 16 : index
    %swap3A_675 = tpu.vector_load %arg14[%swap3A_674] {strides = array<i32>} : memref<64xf32, #tpu.memory_space<vmem>>, vector<16xf32>,
    tpu.vector_store %arg14[%swap3A_674], %add3A_673 {strides = array<i32>} : memref<64xf32, #tpu.memory_space<vmem>>, vector<16xf32>,
    %get3A_676 = arith.constant 0 : i32
    %get3A_677 = arith.index_cast %get3A_676 : i32 to index
    %get3A_678 = arith.constant 32 : index
    %get3A_679 = tpu.vector_load %arg13[%get3A_677, %get3A_678] {strides = array<i32>} : memref<16x64xf32, #tpu.memory_space<vmem>>, vector<16xf32>,
    %get3A_680 = arith.constant 1 : i32
    %get3A_681 = arith.index_cast %get3A_680 : i32 to index
    %get3A_682 = arith.constant 32 : index
    %get3A_683 = tpu.vector_load %arg13[%get3A_681, %get3A_682] {strides = array<i32>} : memref<16x64xf32, #tpu.memory_space<vmem>>, vector<16xf32>,
    %get3A_684 = arith.constant 2 : i32
    %get3A_685 = arith.index_cast %get3A_684 : i32 to index
    %get3A_686 = arith.constant 32 : index
    %get3A_687 = tpu.vector_load %arg13[%get3A_685, %get3A_686] {strides = array<i32>} : memref<16x64xf32, #tpu.memory_space<vmem>>, vector<16xf32>,
    %get3A_688 = arith.constant 3 : i32
    %get3A_689 = arith.index_cast %get3A_688 : i32 to index
    %get3A_690 = arith.constant 32 : index
    %get3A_691 = tpu.vector_load %arg13[%get3A_689, %get3A_690] {strides = array<i32>} : memref<16x64xf32, #tpu.memory_space<vmem>>, vector<16xf32>,
    %get3A_692 = arith.constant 4 : i32
    %get3A_693 = arith.index_cast %get3A_692 : i32 to index
    %get3A_694 = arith.constant 32 : index
    %get3A_695 = tpu.vector_load %arg13[%get3A_693, %get3A_694] {strides = array<i32>} : memref<16x64xf32, #tpu.memory_space<vmem>>, vector<16xf32>,
    %get3A_696 = arith.constant 5 : i32
    %get3A_697 = arith.index_cast %get3A_696 : i32 to index
    %get3A_698 = arith.constant 32 : index
    %get3A_699 = tpu.vector_load %arg13[%get3A_697, %get3A_698] {strides = array<i32>} : memref<16x64xf32, #tpu.memory_space<vmem>>, vector<16xf32>,
    %get3A_700 = arith.constant 6 : i32
    %get3A_701 = arith.index_cast %get3A_700 : i32 to index
    %get3A_702 = arith.constant 32 : index
    %get3A_703 = tpu.vector_load %arg13[%get3A_701, %get3A_702] {strides = array<i32>} : memref<16x64xf32, #tpu.memory_space<vmem>>, vector<16xf32>,
    %get3A_704 = arith.constant 7 : i32
    %get3A_705 = arith.index_cast %get3A_704 : i32 to index
    %get3A_706 = arith.constant 32 : index
    %get3A_707 = tpu.vector_load %arg13[%get3A_705, %get3A_706] {strides = array<i32>} : memref<16x64xf32, #tpu.memory_space<vmem>>, vector<16xf32>,
    %get3A_708 = arith.constant 8 : i32
    %get3A_709 = arith.index_cast %get3A_708 : i32 to index
    %get3A_710 = arith.constant 32 : index
    %get3A_711 = tpu.vector_load %arg13[%get3A_709, %get3A_710] {strides = array<i32>} : memref<16x64xf32, #tpu.memory_space<vmem>>, vector<16xf32>,
    %get3A_712 = arith.constant 9 : i32
    %get3A_713 = arith.index_cast %get3A_712 : i32 to index
    %get3A_714 = arith.constant 32 : index
    %get3A_715 = tpu.vector_load %arg13[%get3A_713, %get3A_714] {strides = array<i32>} : memref<16x64xf32, #tpu.memory_space<vmem>>, vector<16xf32>,
    %get3A_716 = arith.constant 10 : i32
    %get3A_717 = arith.index_cast %get3A_716 : i32 to index
    %get3A_718 = arith.constant 32 : index
    %get3A_719 = tpu.vector_load %arg13[%get3A_717, %get3A_718] {strides = array<i32>} : memref<16x64xf32, #tpu.memory_space<vmem>>, vector<16xf32>,
    %get3A_720 = arith.constant 11 : i32
    %get3A_721 = arith.index_cast %get3A_720 : i32 to index
    %get3A_722 = arith.constant 32 : index
    %get3A_723 = tpu.vector_load %arg13[%get3A_721, %get3A_722] {strides = array<i32>} : memref<16x64xf32, #tpu.memory_space<vmem>>, vector<16xf32>,
    %get3A_724 = arith.constant 12 : i32
    %get3A_725 = arith.index_cast %get3A_724 : i32 to index
    %get3A_726 = arith.constant 32 : index
    %get3A_727 = tpu.vector_load %arg13[%get3A_725, %get3A_726] {strides = array<i32>} : memref<16x64xf32, #tpu.memory_space<vmem>>, vector<16xf32>,
    %get3A_728 = arith.constant 13 : i32
    %get3A_729 = arith.index_cast %get3A_728 : i32 to index
    %get3A_730 = arith.constant 32 : index
    %get3A_731 = tpu.vector_load %arg13[%get3A_729, %get3A_730] {strides = array<i32>} : memref<16x64xf32, #tpu.memory_space<vmem>>, vector<16xf32>,
    %get3A_732 = arith.constant 14 : i32
    %get3A_733 = arith.index_cast %get3A_732 : i32 to index
    %get3A_734 = arith.constant 32 : index
    %get3A_735 = tpu.vector_load %arg13[%get3A_733, %get3A_734] {strides = array<i32>} : memref<16x64xf32, #tpu.memory_space<vmem>>, vector<16xf32>,
    %get3A_736 = arith.constant 15 : i32
    %get3A_737 = arith.index_cast %get3A_736 : i32 to index
    %get3A_738 = arith.constant 32 : index
    %get3A_739 = tpu.vector_load %arg13[%get3A_737, %get3A_738] {strides = array<i32>} : memref<16x64xf32, #tpu.memory_space<vmem>>, vector<16xf32>,
    %add3A_740 = arith.addf %get3A_679, %get3A_683 : vector<16xf32>
    %add3A_741 = arith.addf %get3A_687, %get3A_691 : vector<16xf32>
    %add3A_742 = arith.addf %get3A_695, %get3A_699 : vector<16xf32>
    %add3A_743 = arith.addf %get3A_703, %get3A_707 : vector<16xf32>
    %add3A_744 = arith.addf %get3A_711, %get3A_715 : vector<16xf32>
    %add3A_745 = arith.addf %get3A_719, %get3A_723 : vector<16xf32>
    %add3A_746 = arith.addf %get3A_727, %get3A_731 : vector<16xf32>
    %add3A_747 = arith.addf %get3A_735, %get3A_739 : vector<16xf32>
    %add3A_748 = arith.addf %add3A_740, %add3A_741 : vector<16xf32>
    %add3A_749 = arith.addf %add3A_742, %add3A_743 : vector<16xf32>
    %add3A_750 = arith.addf %add3A_744, %add3A_745 : vector<16xf32>
    %add3A_751 = arith.addf %add3A_746, %add3A_747 : vector<16xf32>
    %add3A_752 = arith.addf %add3A_748, %add3A_749 : vector<16xf32>
    %add3A_753 = arith.addf %add3A_750, %add3A_751 : vector<16xf32>
    %add3A_754 = arith.addf %add3A_752, %add3A_753 : vector<16xf32>
    %swap3A_755 = arith.constant 32 : index
    %swap3A_756 = tpu.vector_load %arg14[%swap3A_755] {strides = array<i32>} : memref<64xf32, #tpu.memory_space<vmem>>, vector<16xf32>,
    tpu.vector_store %arg14[%swap3A_755], %add3A_754 {strides = array<i32>} : memref<64xf32, #tpu.memory_space<vmem>>, vector<16xf32>,
    %get3A_757 = arith.constant 0 : i32
    %get3A_758 = arith.index_cast %get3A_757 : i32 to index
    %get3A_759 = arith.constant 48 : index
    %get3A_760 = tpu.vector_load %arg13[%get3A_758, %get3A_759] {strides = array<i32>} : memref<16x64xf32, #tpu.memory_space<vmem>>, vector<16xf32>,
    %get3A_761 = arith.constant 1 : i32
    %get3A_762 = arith.index_cast %get3A_761 : i32 to index
    %get3A_763 = arith.constant 48 : index
    %get3A_764 = tpu.vector_load %arg13[%get3A_762, %get3A_763] {strides = array<i32>} : memref<16x64xf32, #tpu.memory_space<vmem>>, vector<16xf32>,
    %get3A_765 = arith.constant 2 : i32
    %get3A_766 = arith.index_cast %get3A_765 : i32 to index
    %get3A_767 = arith.constant 48 : index
    %get3A_768 = tpu.vector_load %arg13[%get3A_766, %get3A_767] {strides = array<i32>} : memref<16x64xf32, #tpu.memory_space<vmem>>, vector<16xf32>,
    %get3A_769 = arith.constant 3 : i32
    %get3A_770 = arith.index_cast %get3A_769 : i32 to index
    %get3A_771 = arith.constant 48 : index
    %get3A_772 = tpu.vector_load %arg13[%get3A_770, %get3A_771] {strides = array<i32>} : memref<16x64xf32, #tpu.memory_space<vmem>>, vector<16xf32>,
    %get3A_773 = arith.constant 4 : i32
    %get3A_774 = arith.index_cast %get3A_773 : i32 to index
    %get3A_775 = arith.constant 48 : index
    %get3A_776 = tpu.vector_load %arg13[%get3A_774, %get3A_775] {strides = array<i32>} : memref<16x64xf32, #tpu.memory_space<vmem>>, vector<16xf32>,
    %get3A_777 = arith.constant 5 : i32
    %get3A_778 = arith.index_cast %get3A_777 : i32 to index
    %get3A_779 = arith.constant 48 : index
    %get3A_780 = tpu.vector_load %arg13[%get3A_778, %get3A_779] {strides = array<i32>} : memref<16x64xf32, #tpu.memory_space<vmem>>, vector<16xf32>,
    %get3A_781 = arith.constant 6 : i32
    %get3A_782 = arith.index_cast %get3A_781 : i32 to index
    %get3A_783 = arith.constant 48 : index
    %get3A_784 = tpu.vector_load %arg13[%get3A_782, %get3A_783] {strides = array<i32>} : memref<16x64xf32, #tpu.memory_space<vmem>>, vector<16xf32>,
    %get3A_785 = arith.constant 7 : i32
    %get3A_786 = arith.index_cast %get3A_785 : i32 to index
    %get3A_787 = arith.constant 48 : index
    %get3A_788 = tpu.vector_load %arg13[%get3A_786, %get3A_787] {strides = array<i32>} : memref<16x64xf32, #tpu.memory_space<vmem>>, vector<16xf32>,
    %get3A_789 = arith.constant 8 : i32
    %get3A_790 = arith.index_cast %get3A_789 : i32 to index
    %get3A_791 = arith.constant 48 : index
    %get3A_792 = tpu.vector_load %arg13[%get3A_790, %get3A_791] {strides = array<i32>} : memref<16x64xf32, #tpu.memory_space<vmem>>, vector<16xf32>,
    %get3A_793 = arith.constant 9 : i32
    %get3A_794 = arith.index_cast %get3A_793 : i32 to index
    %get3A_795 = arith.constant 48 : index
    %get3A_796 = tpu.vector_load %arg13[%get3A_794, %get3A_795] {strides = array<i32>} : memref<16x64xf32, #tpu.memory_space<vmem>>, vector<16xf32>,
    %get3A_797 = arith.constant 10 : i32
    %get3A_798 = arith.index_cast %get3A_797 : i32 to index
    %get3A_799 = arith.constant 48 : index
    %get3A_800 = tpu.vector_load %arg13[%get3A_798, %get3A_799] {strides = array<i32>} : memref<16x64xf32, #tpu.memory_space<vmem>>, vector<16xf32>,
    %get3A_801 = arith.constant 11 : i32
    %get3A_802 = arith.index_cast %get3A_801 : i32 to index
    %get3A_803 = arith.constant 48 : index
    %get3A_804 = tpu.vector_load %arg13[%get3A_802, %get3A_803] {strides = array<i32>} : memref<16x64xf32, #tpu.memory_space<vmem>>, vector<16xf32>,
    %get3A_805 = arith.constant 12 : i32
    %get3A_806 = arith.index_cast %get3A_805 : i32 to index
    %get3A_807 = arith.constant 48 : index
    %get3A_808 = tpu.vector_load %arg13[%get3A_806, %get3A_807] {strides = array<i32>} : memref<16x64xf32, #tpu.memory_space<vmem>>, vector<16xf32>,
    %get3A_809 = arith.constant 13 : i32
    %get3A_810 = arith.index_cast %get3A_809 : i32 to index
    %get3A_811 = arith.constant 48 : index
    %get3A_812 = tpu.vector_load %arg13[%get3A_810, %get3A_811] {strides = array<i32>} : memref<16x64xf32, #tpu.memory_space<vmem>>, vector<16xf32>,
    %get3A_813 = arith.constant 14 : i32
    %get3A_814 = arith.index_cast %get3A_813 : i32 to index
    %get3A_815 = arith.constant 48 : index
    %get3A_816 = tpu.vector_load %arg13[%get3A_814, %get3A_815] {strides = array<i32>} : memref<16x64xf32, #tpu.memory_space<vmem>>, vector<16xf32>,
    %get3A_817 = arith.constant 15 : i32
    %get3A_818 = arith.index_cast %get3A_817 : i32 to index
    %get3A_819 = arith.constant 48 : index
    %get3A_820 = tpu.vector_load %arg13[%get3A_818, %get3A_819] {strides = array<i32>} : memref<16x64xf32, #tpu.memory_space<vmem>>, vector<16xf32>,
    %add3A_821 = arith.addf %get3A_760, %get3A_764 : vector<16xf32>
    %add3A_822 = arith.addf %get3A_768, %get3A_772 : vector<16xf32>
    %add3A_823 = arith.addf %get3A_776, %get3A_780 : vector<16xf32>
    %add3A_824 = arith.addf %get3A_784, %get3A_788 : vector<16xf32>
    %add3A_825 = arith.addf %get3A_792, %get3A_796 : vector<16xf32>
    %add3A_826 = arith.addf %get3A_800, %get3A_804 : vector<16xf32>
    %add3A_827 = arith.addf %get3A_808, %get3A_812 : vector<16xf32>
    %add3A_828 = arith.addf %get3A_816, %get3A_820 : vector<16xf32>
    %add3A_829 = arith.addf %add3A_821, %add3A_822 : vector<16xf32>
    %add3A_830 = arith.addf %add3A_823, %add3A_824 : vector<16xf32>
    %add3A_831 = arith.addf %add3A_825, %add3A_826 : vector<16xf32>
    %add3A_832 = arith.addf %add3A_827, %add3A_828 : vector<16xf32>
    %add3A_833 = arith.addf %add3A_829, %add3A_830 : vector<16xf32>
    %add3A_834 = arith.addf %add3A_831, %add3A_832 : vector<16xf32>
    %add3A_835 = arith.addf %add3A_833, %add3A_834 : vector<16xf32>
    %swap3A_836 = arith.constant 48 : index
    %swap3A_837 = tpu.vector_load %arg14[%swap3A_836] {strides = array<i32>} : memref<64xf32, #tpu.memory_space<vmem>>, vector<16xf32>,
    tpu.vector_store %arg14[%swap3A_836], %add3A_835 {strides = array<i32>} : memref<64xf32, #tpu.memory_space<vmem>>, vector<16xf32>,
    %run_scoped3A = arith.constant 0 : i32
    "tpu.region"() ({
      %run_scoped3A_838 = tpu.sem_alloc : memref<!tpu.dma_semaphore, #tpu.memory_space<semaphore_mem>>
      %dma_start3A_839 = tpu.memref_slice %arg6[%run_scoped3A, %mul3A_131] : memref<1x1024xf32, #tpu.memory_space<hbm>> -> memref<1x64xf32, #tpu.memory_space<hbm>>
      %dma_start3A_840 = tpu.memref_squeeze %dma_start3A_839 : memref<1x64xf32, #tpu.memory_space<hbm>> -> memref<64xf32, #tpu.memory_space<hbm>>
      %dma_start3A_841 = tpu.memref_slice %arg6[%run_scoped3A, %mul3A_131] : memref<1x1024xf32, #tpu.memory_space<hbm>> -> memref<1x64xf32, #tpu.memory_space<hbm>>
      %dma_start3A_842 = tpu.memref_squeeze %dma_start3A_841 : memref<1x64xf32, #tpu.memory_space<hbm>> -> memref<64xf32, #tpu.memory_space<hbm>>
      tpu.enqueue_dma source(%arg14 : memref<64xf32, #tpu.memory_space<vmem>>) target(%dma_start3A_842 : memref<64xf32, #tpu.memory_space<hbm>>) target_semaphore(%run_scoped3A_838 : memref<!tpu.dma_semaphore, #tpu.memory_space<semaphore_mem>>)
      %dma_wait3A_843 = tpu.memref_slice %arg6[%run_scoped3A, %mul3A_131] : memref<1x1024xf32, #tpu.memory_space<hbm>> -> memref<1x64xf32, #tpu.memory_space<hbm>>
      %dma_wait3A_844 = tpu.memref_squeeze %dma_wait3A_843 : memref<1x64xf32, #tpu.memory_space<hbm>> -> memref<64xf32, #tpu.memory_space<hbm>>
      %dma_wait3A_845 = tpu.memref_slice %arg6[%run_scoped3A, %mul3A_131] : memref<1x1024xf32, #tpu.memory_space<hbm>> -> memref<1x64xf32, #tpu.memory_space<hbm>>
      %dma_wait3A_846 = tpu.memref_squeeze %dma_wait3A_845 : memref<1x64xf32, #tpu.memory_space<hbm>> -> memref<64xf32, #tpu.memory_space<hbm>>
      tpu.wait_dma2 semaphore(%run_scoped3A_838 : memref<!tpu.dma_semaphore, #tpu.memory_space<semaphore_mem>>) src(%arg14 : memref<64xf32, #tpu.memory_space<vmem>>) dst(%dma_wait3A_846 : memref<64xf32, #tpu.memory_space<hbm>>)
      tpu.yield
    }) : () -> ()
    return
  }
}

</mosaic_0001>

<sc_bundles>
// kernel: kernel.3.cloned.1.call-start
scs
__scs_entry_jumppad:
0x0: {  	(pc) =	sbr.rel $0x88, $3  }
0x1: {  	(tag) =	ssettag $0x0;
	lr =	simm.s32 $0x1  }
0x2: {  	[smem:$0x3F9C] =	sst lr;
	_ =	strace $0xD0000000  }
0x3: {  	_ = 	snop  }
0x4: {  	_ = 	snop  }
0x5: {  	_ = 	snop  }
0x6: {  	_ = 	snop  }
0x7: {  	_ = 	snop  }
__scs_overlays_trampoline_lowered:
0x8: {  	[smem:$0x3FAB] =	sst s0  }
0x9: {  	[smem:$0x3FAC] =	sst s1  }
0xa: {  	[smem:$0x3FAD] =	sst s2  }
0xb: {  	[smem:$0x3FAE] =	sst s3  }
0xc: {  	[smem:$0x3FAF] =	sst s4  }
0xd: {  	[smem:$0x3FB0] =	sst s5  }
0xe: {  	[smem:$0x3FB1] =	sst s6  }
0xf: {  	[smem:$0x3FB2] =	sst s7  }
0x10: {  	[smem:$0x3FB3] =	sst s8  }
0x11: {  	[smem:$0x3FB4] =	sst s9;
	s0 =	simm.s32 @!p0 $0x0  }
0x12: {  	s1 =	sld [smem:$0x3F9A];
	s0 =	simm.s32 @p0 $0x1  }
0x13: {  	[smem:$0x3FB5] =	sst s0;
	s0 =	simm.s32 @!p1 $0x0  }
0x14: {  	s2 =	sld [smem:$0x3F99];
	s0 =	simm.s32 @p1 $0x1  }
0x15: {  	[smem:$0x3FB6] =	sst s0;
	s0 =	simm.s32 @!p2 $0x0  }
0x16: {  	s3 =	sld [smem:$0x3FDB];
	s0 =	simm.s32 @p2 $0x1  }
0x17: {  	s4 =	simm.s32 $0x1BF5;
	[smem:$0x3FB8] =	sst s0  }
0x18: {  	s0 =	sld [smem:$0x3F9B];
	_ =	swait.ge [sflag:s4], $0x0  }
0x19: {  	s7 =	sld [smem:$0x3F9C]  }
0x1a: {  	s8 =	sadd.s32 $0xFFFFE003, lr  }
0x1b: {  	s9 =	sadd.s32 $0xFFFFFEF7, lr;
	s5 =	simm.s32 $0xFFFFFFFF;
	p2 =	slt.u32 s8, $0xFFFFF086  }
0x1c: {  	p1 =	slt.u32 s9, $0xF7A;
	s5 =	simm.s32 @!p2 $0x0  }
0x1d: {  	s5 =	simm.s32 @p1 $0x1;
	p0 =	seq.s32 s7, s2  }
0x1e: {  	s7 =	smul.u32 @!p0 $0xF7A, s2;
	p2 =	seq.s32 @!p0 s5, $0x0  }
0x1f: {  	s9 =	smul.u32 $0xF7A, s1;
	s8 =	simm.s32 @!p0 $0x1BF5;
	p2 =	por !p2, p0  }
0x20: {  	[sflag:s8] =	ssyncset.s32 @!p0 $0xFFFFF086;
	s6 =	sadd.s32 @!p0 s3, s7;
	s7 =	simm.s32 @!p0 $0x108  }
0x21: {  	s3 =	sadd.s32 s3, s9;
	s6 =	sadd.s32 @!p0 $0x88, s6;
	s7 =	simm.s32 @p2 $0x1082  }
0x22: {  	[simem:s7], [sflag:s8] =	dma.local @!p0 [hbm:s6], $0xF7A  }
0x23: {  	s9 =	sor.u32 $0xD0000000, s2;
	s6 =	simm.s32 $0x108;
	_ =	swait.ge @!p0 [sflag:s8], $0x0  }
0x24: {  	s3 =	sadd.s32 $0x88, s3;
	s6 =	simm.s32 @!p1 $0x1082;
	[sflag:s4] =	ssyncset.s32 $0xFFFFF086  }
0x25: {  	[simem:s6], [sflag:s4] =	dma.local [hbm:s3], $0xF7A  }
0x26: {  	[smem:$0x3F9C] =	sst s1;
	(tag) =	ssettag s2;
	_ =	strace s9  }
0x27: {  	s1 =	sld [smem:$0x3FAC]  }
0x28: {  	s2 =	sld [smem:$0x3FAD]  }
0x29: {  	s4 =	sld [smem:$0x3FAF]  }
0x2a: {  	p0 =	seq.s32 s5, $0x0;
	s5 =	sld [smem:$0x3FB0]  }
0x2b: {  	s6 =	sld [smem:$0x3FB1]  }
0x2c: {  	s7 =	sld [smem:$0x3FB2]  }
0x2d: {  	s3 =	simm.s32 $0x108;
	s8 =	sld [smem:$0x3FB3]  }
0x2e: {  	s3 =	simm.s32 @!p0 $0x1082;
	s9 =	sld [smem:$0x3FB4]  }
0x2f: {  	lr =	sadd.s32 s0, s3;
	s0 =	sld [smem:$0x3FAB]  }
0x30: {  	s3 =	sld [smem:$0x3FAE]  }
0x31: {  	[smem:$0x3FB7] =	sst s10  }
0x32: {  	s10 =	sld [smem:$0x3FB5];
	_ =	sdelay $0x3  }
0x33: {  	p0 =	seq.s32 s10, $0x1;
	s10 =	sld [smem:$0x3FB7];
	_ =	sdelay $0x3  }
0x34: {  	[smem:$0x3FB7] =	sst s10  }
0x35: {  	s10 =	sld [smem:$0x3FB6];
	_ =	sdelay $0x3  }
0x36: {  	p1 =	seq.s32 s10, $0x1;
	s10 =	sld [smem:$0x3FB7];
	_ =	sdelay $0x3  }
0x37: {  	[smem:$0x3FB7] =	sst s10  }
0x38: {  	s10 =	sld [smem:$0x3FB8]  }
0x39: {  	_ = 	snop;
	(pc) =	sbr.ind lr, $3  }
0x3a: {  	_ = 	snop  }
0x3b: {  	_ = 	snop  }
0x3c: {  	p2 =	seq.s32 s10, $0x1;
	s10 =	sld [smem:$0x3FB7]  }
0x3d: {  	_ =	shalt  }
0x3e: {  	_ =	shalt  }
0x3f: {  	_ =	shalt  }
0x40: {  	_ =	shalt  }
0x41: {  	_ =	shalt  }
0x42: {  	_ =	shalt  }
0x43: {  	_ =	shalt  }
0x44: {  	_ =	shalt  }
0x45: {  	_ =	shalt  }
0x46: {  	_ =	shalt  }
0x47: {  	_ =	shalt  }
0x48: {  	_ =	shalt  }
0x49: {  	_ =	shalt  }
0x4a: {  	_ =	shalt  }
0x4b: {  	_ =	shalt  }
0x4c: {  	_ =	shalt  }
0x4d: {  	_ =	shalt  }
0x4e: {  	_ =	shalt  }
0x4f: {  	_ =	shalt  }
0x50: {  	_ =	shalt  }
0x51: {  	_ =	shalt  }
0x52: {  	_ =	shalt  }
0x53: {  	_ =	shalt  }
0x54: {  	_ =	shalt  }
0x55: {  	_ =	shalt  }
0x56: {  	_ =	shalt  }
0x57: {  	_ =	shalt  }
0x58: {  	_ =	shalt  }
0x59: {  	_ =	shalt  }
0x5a: {  	_ =	shalt  }
0x5b: {  	_ =	shalt  }
0x5c: {  	_ =	shalt  }
0x5d: {  	_ =	shalt  }
0x5e: {  	_ =	shalt  }
0x5f: {  	_ =	shalt  }
0x60: {  	_ =	shalt  }
0x61: {  	_ =	shalt  }
0x62: {  	_ =	shalt  }
0x63: {  	_ =	shalt  }
0x64: {  	_ =	shalt  }
0x65: {  	_ =	shalt  }
0x66: {  	_ =	shalt  }
0x67: {  	_ =	shalt  }
0x68: {  	_ =	shalt  }
0x69: {  	_ =	shalt  }
0x6a: {  	_ =	shalt  }
0x6b: {  	_ =	shalt  }
0x6c: {  	_ =	shalt  }
0x6d: {  	_ =	shalt  }
0x6e: {  	_ =	shalt  }
0x6f: {  	_ =	shalt  }
0x70: {  	_ =	shalt  }
0x71: {  	_ =	shalt  }
0x72: {  	_ =	shalt  }
0x73: {  	_ =	shalt  }
0x74: {  	_ =	shalt  }
0x75: {  	_ =	shalt  }
0x76: {  	_ =	shalt  }
0x77: {  	_ =	shalt  }
0x78: {  	_ =	shalt  }
0x79: {  	_ =	shalt  }
0x7a: {  	_ =	shalt  }
0x7b: {  	_ =	shalt  }
0x7c: {  	_ =	shalt  }
0x7d: {  	_ =	shalt  }
0x7e: {  	_ =	shalt  }
0x7f: {  	_ =	shalt  }
0x80: {  	_ =	shalt  }
0x81: {  	_ =	shalt  }
0x82: {  	_ =	shalt  }
0x83: {  	_ =	shalt  }
0x84: {  	_ =	shalt  }
0x85: {  	_ =	shalt  }
0x86: {  	_ =	shalt  }
0x87: {  	_ =	shalt  }
.Lfunc_end0:
.L_simem_size_0:
called_computation_lowered:
.L_overlay_start_0:
0x88: {  	s0 =	sld [smem:$0x3FD9]  }
0x89: {  	s1 =	sld [smem:$0x3FFE];
	_ =	sdelay $0x3  }
0x8a: {  	s0 =	sadd.s32 s1, s0  }
0x8b: {  	[smem:$0x3FC3] =	sst s0  }
0x8c: {  	_ = 	snop  }
0x8d: {  	s0 =	sld [smem:$0x3FD0];
	(tm) =	ssettm $0x1  }
0x8e: {  	s16 =	sld [smem:$0x3FFB];
	_ =	sdelay $0x3  }
0x8f: {  	_ =	strace s16  }
0x90: {  	s1 =	sld [smem:$0x3FFC];
	_ =	sdelay $0x3  }
0x91: {  	_ =	strace s1  }
0x92: {  	s1 =	sld [smem:$0x3FFD];
	_ =	sdelay $0x3  }
0x93: {  	_ =	strace s1  }
0x94: {  	_ =	strace $0x8FFFFFFF  }
0x95: {  	s17 =	sld [smem:$0x3FDB];
	_ =	sdelay $0x1  }
0x96: {  	s2 =	simm.s32 $_scs_section_size  }
0x97: {  	s3 =	simm.s32 $_size__tile_overlayer_lowered;
	s4 =	simm.s32 $_tile_overlayer_lowered  }
0x98: {  	s20 =	simm.s32 $0x1BFF;
	s19 =	sshll.u32 s4, $0x1;
	s1 =	sadd.s32 s2, s17  }
0x99: {  	s5 =	simm.s32 $0x0;
	s18 =	sshll.u32 s3, $0x1;
	s3 =	sadd.s32 s19, s1  }
0x9a: {  	[timem:s5], [sflag:s20] =	dma.local [hbm:s3], s18  }
0x9b: {  	_ =	swait.ge [sflag:s20], s18  }
0x9c: {  	s2 =	ssub.s32 $0x0, s18;
	[sflag:s20] =	ssyncset.done $0x0  }
0x9d: {  	[sflag:s20] =	ssyncadd.s32 s2;
	_ =	sdelay $0x1  }
0x9e: {  	s21 =	simm.s32 $0x1B8B  }
0x9f: {  	_ =	swait.ge [sflag:s21], $0x1  }
0xa0: {  	[sflag:s21] =	ssyncset.done $0x0  }
0xa1: {  	s23 =	simm.s32 $0x1B8E;
	s22 =	sld [smem:$0x3FFE];
	[sflag:s21] =	ssyncadd.s32 $0xFFFFFFFF  }
0xa2: {  	s24 =	simm.s32 $execute0_lowered;
	[smem:$0x3FD2] =	sst s23  }
0xa3: {  	s3 =	sshll.u32 s24, $0x1;
	_ =	strace $0x80000046;
	[dreg:$0x1] =	wrdreg $0xFFFFFFFF  }
0xa4: {  	s25 =	simm.s32 $_size_execute0_lowered;
	s1 =	sadd.s32 s1, s3;
	[dreg:$0x0] =	wrdreg $0x0  }
0xa5: {  	s3 =	sshll.u32 s25, $0x1;
	[dreg:$0x2] =	wrdreg s1  }
0xa6: {  	[dreg:$0x3] =	wrdreg s3  }
0xa7: {  	[dreg:$0x4] =	wrdreg $0xC0  }
0xa8: {  	_ =	task [dreg:s5], $0x5FFFF  }
0xa9: {  	[dreg:$0x1] =	wrdreg $0xFFFFFFFF  }
0xaa: {  	[dreg:$0x0] =	wrdreg $0x60  }
0xab: {  	[dreg:$0x2] =	wrdreg s22  }
0xac: {  	[dreg:$0x3] =	wrdreg s0  }
0xad: {  	[dreg:$0x4] =	wrdreg $0x60000  }
0xae: {  	[dreg:$0x5] =	wrdreg $0x9  }
0xaf: {  	_ =	task.clear_ibuf [dreg:s5], $0x6FFFF;
	_ =	strace $0x90000046  }
0xb0: {  	s26 =	simm.s32 $0x9;
	_ =	strace $0x80000048  }
0xb1: {  	_ =	swait.ge [sflag:s26], $0x1  }
0xb2: {  	[sflag:s26] =	ssyncadd.s32 $0xFFFFFFFF  }
0xb3: {  	_ =	strace $0x90000048  }
0xb4: {  	_ =	sfence  }
0xb5: {  	s28 =	sld [smem:$0x0];
	_ =	sdelay $0x1  }
0xb6: {  	s29 =	srdreg.scid  }
0xb7: {  	s30 =	sshll.u32 s29, $0xD;
	s31 =	sshrl.u32 s29, $0x2  }
0xb8: {  	s2 =	sand.u32 $0x4000, s30;
	s1 =	sand.u32 $0x1, s29;
	s0 =	sadd.s32 s31, s28  }
0xb9: {  	s1 =	sor.u32 s2, s1;
	s0 =	sshll.u32 s0, $0x11  }
0xba: {  	s0 =	sor.u32 s0, s1  }
0xbb: {  	s0 =	sadd.s32 $0x8F2B, s0  }
0xbc: {  	[sflag:s0] =	ssyncadd.remote.s32 $0x1  }
0xbd: {  	_ =	sfence.sel $0xFFFF  }
0xbe: {  	[dreg:$0x0] =	wrdreg $0xFFFFFFFF;
	(pc) =	sbr.abs _section_cstart, $3  }
0xbf: {  	[dreg:$0x1] =	wrdreg $0xFFFFFFFF  }
0xc0: {  	_ =	task.clear_ibuf [dreg:s5], $0x2FFFF;
	_ =	strace $0x9FFFFFFF  }
0xc1: {  	(tm) =	ssettm $0x7FFFFFFF  }
tec
execute0_lowered:
.L_overlay_start_1:
0x0: {  	(tag) =	ssettag $0x1  }
0x1: {  	s4 =	rddreg [dreg:$0x0]  }
0x2: {  	s2 =	rddreg [dreg:$0x1];
	s0 =	stileid.u32  }
0x3: {  	s3 =	rddreg [dreg:$0x2];
	s5 =	smul.u32 $0x1900, s0  }
0x4: {  	s1 =	rddreg [dreg:$0x3];
	s6 =	simm.s32 $0x0  }
0x5: {  	[smem:$0x7FF] =	sst s6;
	s7 =	sadd.s32 $0x1000, s4;
	s5 =	sshrl.u32 s5, $0x3  }
0x6: {  	s8 =	sadd.s32 $0x4200, s4;
	_ =	strace $0x80000047;
	s9 =	sadd.s32 s7, s5  }
0x7: {  	[tilespmem:s6], [sflag:$0x1] =	stream.linear.gather [hbm4b:s9+s6], $0x640, $0x38;
	[tilespmem:$0x6400] =	vst v63  }
0x8: {  	s11 =	simm.s32 $0x1900;
	s16 =	sadd.s32 s8, s5;
	s10 =	sadd.s32 $0xC8, s5  }
0x9: {  	[tilespmem:s11], [sflag:$0x1] =	stream.linear.gather [hbm4b:s16+s6], $0x640, $0x38;
	[tilespmem:$0x6400] =	vst v63  }
0xa: {  	s18 =	simm.s32 $0x640;
	s17 =	sadd.s32 s7, s10  }
0xb: {  	[tilespmem:s18], [sflag:$0x2] =	stream.linear.gather [hbm4b:s17+s6], $0x640, $0x38;
	[tilespmem:$0x6400] =	vst v63  }
0xc: {  	s21 =	simm.s32 $0x1F40;
	s20 =	sadd.s32 $0x190, s5;
	s19 =	sadd.s32 s8, s10  }
0xd: {  	[tilespmem:s21], [sflag:$0x2] =	stream.linear.gather [hbm4b:s19+s6], $0x640, $0x38;
	[tilespmem:$0x6400] =	vst v63  }
0xe: {  	s23 =	simm.s32 $0xC80;
	s22 =	sadd.s32 s7, s20  }
0xf: {  	[tilespmem:s23], [sflag:$0x3] =	stream.linear.gather [hbm4b:s22+s6], $0x640, $0x38;
	[tilespmem:$0x6400] =	vst v63  }
0x10: {  	s25 =	simm.s32 $0x2580;
	s5 =	sadd.s32 $0x258, s5;
	s24 =	sadd.s32 s8, s20  }
0x11: {  	[tilespmem:s25], [sflag:$0x3] =	stream.linear.gather [hbm4b:s24+s6], $0x640, $0x38;
	[tilespmem:$0x6400] =	vst v63  }
0x12: {  	s26 =	simm.s32 $0x12C0;
	s7 =	sadd.s32 s7, s5  }
0x13: {  	[tilespmem:s26], [sflag:$0x4] =	stream.linear.gather [hbm4b:s7+s6], $0x640, $0x38;
	[tilespmem:$0x6400] =	vst v63  }
0x14: {  	s28 =	simm.s32 $0x2BC0;
	s5 =	sadd.s32 s8, s5  }
0x15: {  	[tilespmem:s28], [sflag:$0x4] =	stream.linear.gather [hbm4b:s5+s6], $0x640, $0x38;
	[tilespmem:$0x6400] =	vst v63  }
0x16: {  	s30 =	simm.s32 $0x3200;
	s29 =	sadd.s32 $0xC00, s4  }
0x17: {  	[tilespmem:s30], [sflag:$0x1] =	stream.linear.gather [hbm4b:s29+s6], $0x80, $0x38;
	[tilespmem:$0x6400] =	vst v63  }
0x18: {  	s31 =	simm.s32 $0x3280;
	s4 =	sadd.s32 $0xE00, s4  }
0x19: {  	[tilespmem:s31], [sflag:$0x1] =	stream.linear.gather [hbm4b:s4+s6], $0x80, $0x38;
	[tilespmem:$0x6400] =	vst v63  }
0x1a: {  	v0 =	vimm.f32 $0.0e+00;
	s5 =	simm.s32 $0x40;
	s4 =	simm.s32 $0x0  }
.LBB2_1:
0x1b: {  	p0 =	sne.s32 s5, $0xFC0;
	[tilespmem:s4+$0x4F07] =	vst v0  }
0x1c: {  	[tilespmem:s4+$0x3300] =	vst v0  }
0x1d: {  	[tilespmem:s4+$0x3701] =	vst v0  }
.Ltmp0:
0x1e: {  	[tilespmem:s4+$0x3B02] =	vst v0;
	(pc) =	sbr.rel @p0 .LBB2_1-.Ltmp0, $4  }
0x1f: {  	[tilespmem:s4+$0x3F03] =	vst v0  }
0x20: {  	[tilespmem:s4+$0x4304] =	vst v0  }
0x21: {  	[tilespmem:s4+$0x4705] =	vst v0  }
0x22: {  	[tilespmem:s4+$0x4B06] =	vst v0;
	s4 =	sshra.s32 s5, $0x2;
	s5 =	sadd.s32 $0x40, s5  }
0x23: {  	[tilespmem:s4+$0x4F07] =	vst v0  }
0x24: {  	[tilespmem:s4+$0x3300] =	vst v0  }
0x25: {  	[tilespmem:s4+$0x3701] =	vst v0  }
0x26: {  	[tilespmem:s4+$0x3B02] =	vst v0  }
0x27: {  	[tilespmem:s4+$0x3F03] =	vst v0  }
0x28: {  	[tilespmem:s4+$0x4304] =	vst v0  }
0x29: {  	[tilespmem:s4+$0x4705] =	vst v0  }
0x2a: {  	[tilespmem:s4+$0x4B06] =	vst v0;
	s25 =	simm.s32 $0x1  }
0x2b: {  	_ =	swait.ge [sflag:s25], $0x640  }
0x2c: {  	[sflag:s25] =	ssyncset.done $0x0  }
0x2d: {  	[sflag:s25] =	ssyncadd.s32 $0xFFFFF9C0  }
0x2e: {  	_ =	swait.ge [sflag:s25], $0x640  }
0x2f: {  	[sflag:s25] =	ssyncset.done $0x0  }
0x30: {  	[sflag:s25] =	ssyncadd.s32 $0xFFFFF9C0  }
0x31: {  	_ =	swait.ge [sflag:s25], $0x80  }
0x32: {  	[sflag:s25] =	ssyncset.done $0x0  }
0x33: {  	[sflag:s25] =	ssyncadd.s32 $0xFFFFFF80  }
0x34: {  	_ =	swait.ge [sflag:s25], $0x80  }
0x35: {  	[sflag:s25] =	ssyncset.done $0x0  }
0x36: {  	s26 =	simm.s32 $0x1920;
	[sflag:s25] =	ssyncadd.s32 $0xFFFFFF80  }
0x37: {  	v1 =	vld [tilespmem:s26+$0x10];
	_ =	sdelay $0x4  }
0x38: {  	v0 =	vand.u32 $0x7F, v1  }
0x39: {  	v2 =	vld [tilespmem:s26+$0xFFFFFFE0]  }
0x3a: {  	v4 =	vld [tilespmem:s26+$0x0]  }
0x3b: {  	s6 =	simm.s32 $0x20;
	v3 =	vld [tilespmem:s26+$0xFFFFFFF0]  }
0x3c: {  	s4 =	simm.s32 $0x3200;
	v9 =	vld [tilespmem:s6+$0x10]  }
0x3d: {  	s5 =	simm.s32 $0x3280;
	v8 =	vld.idx.msk [tilespmem:v0+s4+$0x0], $0xffff  }
0x3e: {  	s7 =	simm.s32 $0x3;
	v5 =	vand.u32 $0x7F, v2;
	v10 =	vld.idx.msk [tilespmem:v0+s5+$0x0], $0xffff;
	v0 =	vlaneseq.u32  }
0x3f: {  	s28 =	simm.s32 $0x1960;
	v15 =	vld [tilespmem:s6+$0xFFFFFFF0];
	v7 =	vand.u32 $0x7F, v4;
	v12 =	vadd.s32 s7, v0  }
0x40: {  	v16 =	vld [tilespmem:s28+$0x10];
	v12 =	vand.u32 $0x7, v12  }
0x41: {  	v19 =	vld [tilespmem:s28+$0xFFFFFFE0];
	v12 =	vmul.u32 $0x401, v12  }
0x42: {  	v21 =	vld [tilespmem:s28+$0x0];
	v1 =	vshrl.u32 v1, $0x7  }
0x43: {  	v11 =	vld.idx.msk [tilespmem:v5+s4+$0x0], $0xffff;
	v1 =	vadd.s32 v12, v1  }
0x44: {  	s8 =	simm.s32 $0x0;
	v14 =	vld.idx.msk [tilespmem:v7+s4+$0x0], $0xffff;
	v8 =	vmul.f32 v8, v9  }
0x45: {  	v6 =	vand.u32 $0x7F, v3;
	v22 =	vand.u32 $0x7F, v16;
	v17 =	vadd.s32 s8, v0;
	v12 =	vld [tilespmem:s6+$0x0]  }
0x46: {  	s29 =	simm.s32 $0x1;
	s30 =	simm.s32 $0x2;
	v2 =	vshrl.u32 v2, $0x7;
	v17 =	vand.u32 $0x7, v17;
	v9 =	vld [tilespmem:s6+$0xFFFFFFE0];
	v8 =	vadd.f32 v10, v8  }
0x47: {  	v18 =	vadd.s32 s29, v0;
	v20 =	vadd.s32 s30, v0;
	v17 =	vmul.u32 $0x401, v17;
	s6 =	simm.s32 $0x3300;
	v10 =	vld [tilespmem:s28+$0xFFFFFFF0]  }
0x48: {  	s31 =	simm.s32 $0x6;
	v4 =	vshrl.u32 v4, $0x7;
	v18 =	vand.u32 $0x7, v18;
	v20 =	vand.u32 $0x7, v20;
	[tilespmem:v1+s6+$0x0] =	vst.idx.add.f32.msk $0xffff, v8  }
0x49: {  	v18 =	vmul.u32 $0x401, v18;
	v2 =	vadd.s32 v17, v2;
	v17 =	vadd.s32 s31, v0;
	v8 =	vld.idx.msk [tilespmem:v5+s5+$0x0], $0xffff  }
0x4a: {  	s10 =	simm.s32 $0x7;
	v13 =	vld.idx.msk [tilespmem:v6+s4+$0x0], $0xffff;
	v20 =	vmul.u32 $0x401, v20;
	v17 =	vand.u32 $0x7, v17;
	v1 =	vshrl.u32 v3, $0x7  }
0x4b: {  	v12 =	vmul.f32 v14, v12;
	v14 =	vadd.s32 s10, v0;
	v3 =	vadd.s32 v18, v1;
	v18 =	vld.idx.msk [tilespmem:v6+s5+$0x0], $0xffff  }
0x4c: {  	v1 =	vadd.s32 v20, v4;
	v4 =	vand.u32 $0x7F, v19;
	v20 =	vld.idx.msk [tilespmem:v7+s5+$0x0], $0xffff;
	v7 =	vmul.f32 v11, v9  }
0x4d: {  	s9 =	simm.s32 $0x5;
	s8 =	simm.s32 $0x60;
	v11 =	vshrl.u32 v19, $0x7;
	v6 =	vand.u32 $0x7F, v21;
	v19 =	vld.idx.msk [tilespmem:v22+s4+$0x0], $0xffff;
	v5 =	vand.u32 $0x7F, v10  }
0x4e: {  	v23 =	vshrl.u32 v10, $0x7;
	v10 =	vld [tilespmem:s8+$0x10];
	v7 =	vadd.f32 v8, v7;
	v8 =	vadd.s32 s9, v0  }
0x4f: {  	s7 =	simm.s32 $0x4;
	v26 =	vmul.u32 $0x401, v17;
	v17 =	vld [tilespmem:s8+$0xFFFFFFF0];
	v14 =	vand.u32 $0x7, v14;
	v8 =	vand.u32 $0x7, v8  }
0x50: {  	v9 =	vadd.s32 s7, v0;
	v22 =	vld.idx.msk [tilespmem:v22+s5+$0x0], $0xffff;
	v24 =	vmul.u32 $0x401, v8;
	v8 =	vmul.u32 $0x401, v14  }
0x51: {  	v16 =	vshrl.u32 v16, $0x7;
	v13 =	vmul.f32 v13, v15;
	v15 =	vand.u32 $0x7, v9;
	v9 =	vld.idx.msk [tilespmem:v4+s4+$0x0], $0xffff  }
0x52: {  	v25 =	vmul.u32 $0x401, v15;
	v15 =	vld.idx.msk [tilespmem:v6+s4+$0x0], $0xffff;
	v16 =	vadd.s32 v8, v16  }
0x53: {  	v21 =	vshrl.u32 v21, $0x7;
	v14 =	vld.idx.msk [tilespmem:v5+s4+$0x0], $0xffff;
	v27 =	vmul.f32 v19, v10  }
0x54: {  	v10 =	vadd.f32 v18, v13;
	v13 =	vadd.s32 v25, v11;
	v18 =	vld [tilespmem:s8+$0x0];
	v8 =	vadd.f32 v20, v12  }
0x55: {  	s10 =	simm.s32 $0x19A0;
	s9 =	simm.s32 $0x40;
	v19 =	vld [tilespmem:s8+$0xFFFFFFE0];
	v11 =	vadd.s32 v24, v23;
	v12 =	vadd.s32 v26, v21;
	v20 =	vadd.f32 v22, v27  }
.LBB2_3:
0x56: {  	v21 =	vld [tilespmem:s10+$0x10]  }
0x57: {  	s9 =	sadd.s32 $0x40, s9;
	[tilespmem:v16+s6+$0x0] =	vst.idx.add.f32.msk $0xffff, v20  }
0x58: {  	p0 =	slt.u32 s9, $0x600;
	v16 =	vld [tilespmem:s10+$0xFFFFFFE0];
	v17 =	vmul.f32 v14, v17  }
0x59: {  	v14 =	vld [tilespmem:s10+$0xFFFFFFF0];
	v18 =	vmul.f32 v15, v18  }
0x5a: {  	v15 =	vld [tilespmem:s10+$0x0];
	v9 =	vmul.f32 v9, v19  }
0x5b: {  	v19 =	vld.idx.msk [tilespmem:v4+s5+$0x0], $0xffff  }
0x5c: {  	v20 =	vand.u32 $0x7F, v21;
	v22 =	vld.idx.msk [tilespmem:v5+s5+$0x0], $0xffff  }
0x5d: {  	v4 =	vand.u32 $0x7F, v16;
	v23 =	vshrl.u32 v16, $0x7;
	v24 =	vld.idx.msk [tilespmem:v6+s5+$0x0], $0xffff  }
0x5e: {  	v5 =	vand.u32 $0x7F, v14;
	v25 =	vshrl.u32 v14, $0x7;
	[tilespmem:v2+s6+$0x0] =	vst.idx.add.f32.msk $0xffff, v7;
	v2 =	vmov v13  }
0x5f: {  	v6 =	vand.u32 $0x7F, v15;
	v26 =	vshrl.u32 v15, $0x7;
	[tilespmem:v3+s6+$0x0] =	vst.idx.add.f32.msk $0xffff, v10;
	v3 =	vmov v11  }
0x60: {  	s7 =	sadd.s32 $0x4, s7;
	[tilespmem:v1+s6+$0x0] =	vst.idx.add.f32.msk $0xffff, v8;
	v1 =	vmov v12  }
0x61: {  	s8 =	sadd.s32 $0x40, s8;
	s11 =	sadd.s32 $0x1, s7;
	s12 =	sadd.s32 $0x3, s7;
	v8 =	vadd.s32 s7, v0;
	v7 =	vadd.f32 v19, v9;
	v12 =	vld.idx.msk [tilespmem:v20+s4+$0x0], $0xffff  }
0x62: {  	v10 =	vadd.s32 s12, v0;
	v9 =	vadd.s32 s11, v0;
	s11 =	sadd.s32 $0x2, s7;
	v8 =	vand.u32 $0x7, v8;
	v19 =	vld [tilespmem:s8+$0x10]  }
0x63: {  	v10 =	vand.u32 $0x7, v10;
	v11 =	vand.u32 $0x7, v9;
	v13 =	vadd.s32 s11, v0;
	v20 =	vld.idx.msk [tilespmem:v20+s5+$0x0], $0xffff  }
0x64: {  	v10 =	vmul.u32 $0x401, v10;
	v11 =	vmul.u32 $0x401, v11;
	v13 =	vand.u32 $0x7, v13;
	v9 =	vld.idx.msk [tilespmem:v4+s4+$0x0], $0xffff  }
.Ltmp1:
0x65: {  	v27 =	vmul.u32 $0x401, v8;
	v8 =	vshrl.u32 v21, $0x7;
	v28 =	vmul.u32 $0x401, v13;
	v14 =	vld.idx.msk [tilespmem:v5+s4+$0x0], $0xffff;
	(pc) =	sbr.rel @p0 .LBB2_3-.Ltmp1, $4  }
0x66: {  	v16 =	vadd.s32 v10, v8;
	v10 =	vadd.f32 v22, v17;
	v8 =	vadd.f32 v24, v18;
	v15 =	vld.idx.msk [tilespmem:v6+s4+$0x0], $0xffff  }
0x67: {  	v13 =	vadd.s32 v27, v23;
	v11 =	vadd.s32 v11, v25;
	v17 =	vld [tilespmem:s8+$0xFFFFFFF0];
	v21 =	vmul.f32 v12, v19  }
0x68: {  	v12 =	vadd.s32 v28, v26;
	v18 =	vld [tilespmem:s8+$0x0]  }
0x69: {  	s10 =	sadd.s32 $0x40, s10;
	v19 =	vld [tilespmem:s8+$0xFFFFFFE0];
	v20 =	vadd.f32 v20, v21  }
0x6a: {  	_ =	sdelay $0x3  }
0x6b: {  	v0 =	vld.idx.msk [tilespmem:v4+s5+$0x0], $0xffff  }
0x6c: {  	v4 =	vld.idx.msk [tilespmem:v5+s5+$0x0], $0xffff  }
0x6d: {  	v5 =	vld.idx.msk [tilespmem:v6+s5+$0x0], $0xffff;
	_ =	sdelay $0x2  }
0x6e: {  	[tilespmem:v2+s6+$0x0] =	vst.idx.add.f32.msk $0xffff, v7;
	v2 =	vmul.f32 v15, v18  }
0x6f: {  	[tilespmem:v3+s6+$0x0] =	vst.idx.add.f32.msk $0xffff, v10;
	v6 =	vmul.f32 v9, v19  }
0x70: {  	[tilespmem:v1+s6+$0x0] =	vst.idx.add.f32.msk $0xffff, v8;
	v9 =	vmul.f32 v14, v17;
	v2 =	vadd.f32 v5, v2  }
0x71: {  	[tilespmem:v16+s6+$0x0] =	vst.idx.add.f32.msk $0xffff, v20;
	v0 =	vadd.f32 v0, v6  }
0x72: {  	v1 =	vadd.f32 v4, v9;
	[tilespmem:v12+s6+$0x0] =	vst.idx.add.f32.msk $0xffff, v2  }
0x73: {  	[tilespmem:v13+s6+$0x0] =	vst.idx.add.f32.msk $0xffff, v0  }
0x74: {  	s4 =	simm.s32 $0x2;
	[tilespmem:v11+s6+$0x0] =	vst.idx.add.f32.msk $0xffff, v1  }
0x75: {  	_ =	swait.ge [sflag:s4], $0x640  }
0x76: {  	[sflag:s4] =	ssyncset.done $0x0  }
0x77: {  	[sflag:s4] =	ssyncadd.s32 $0xFFFFF9C0  }
0x78: {  	_ =	swait.ge [sflag:s4], $0x640  }
0x79: {  	[sflag:s4] =	ssyncset.done $0x0  }
0x7a: {  	s25 =	simm.s32 $0x1F70;
	[sflag:s4] =	ssyncadd.s32 $0xFFFFF9C0  }
0x7b: {  	v1 =	vld [tilespmem:s25+$0x0];
	_ =	sdelay $0x1  }
0x7c: {  	v2 =	vld [tilespmem:s25+$0xFFFFFFD0]  }
0x7d: {  	v3 =	vld [tilespmem:s25+$0xFFFFFFE0]  }
0x7e: {  	s26 =	simm.s32 $0x670;
	v4 =	vld [tilespmem:s25+$0xFFFFFFF0]  }
0x7f: {  	v9 =	vld [tilespmem:s26+$0x0];
	v0 =	vand.u32 $0x7F, v1  }
0x80: {  	s28 =	simm.s32 $0x1FB0;
	v15 =	vld [tilespmem:s26+$0xFFFFFFE0]  }
0x81: {  	v16 =	vld [tilespmem:s28+$0x0]  }
0x82: {  	v17 =	vld [tilespmem:s26+$0xFFFFFFF0]  }
0x83: {  	s4 =	simm.s32 $0x3200;
	v19 =	vld [tilespmem:s26+$0xFFFFFFD0];
	v5 =	vand.u32 $0x7F, v2  }
0x84: {  	s5 =	simm.s32 $0x3280;
	v7 =	vand.u32 $0x7F, v4;
	v8 =	vld.idx.msk [tilespmem:v0+s4+$0x0], $0xffff  }
0x85: {  	s7 =	simm.s32 $0x67;
	v6 =	vand.u32 $0x7F, v3;
	v10 =	vld.idx.msk [tilespmem:v0+s5+$0x0], $0xffff;
	v0 =	vlaneseq.u32  }
0x86: {  	v21 =	vld [tilespmem:s28+$0xFFFFFFD0];
	v14 =	vadd.s32 s7, v0  }
0x87: {  	v22 =	vld [tilespmem:s28+$0xFFFFFFF0];
	v14 =	vand.u32 $0x7, v14  }
0x88: {  	s8 =	simm.s32 $0x64;
	v2 =	vshrl.u32 v2, $0x7;
	v1 =	vshrl.u32 v1, $0x7;
	v11 =	vld.idx.msk [tilespmem:v5+s4+$0x0], $0xffff;
	v14 =	vmul.u32 $0x401, v14  }
0x89: {  	v23 =	vand.u32 $0x7F, v16;
	v3 =	vshrl.u32 v3, $0x7;
	v13 =	vld.idx.msk [tilespmem:v7+s4+$0x0], $0xffff;
	v18 =	vadd.s32 s8, v0  }
0x8a: {  	s9 =	simm.s32 $0x65;
	v12 =	vld.idx.msk [tilespmem:v6+s4+$0x0], $0xffff;
	v18 =	vand.u32 $0x7, v18;
	v14 =	vadd.s32 v14, v1;
	v8 =	vmul.f32 v8, v9  }
0x8b: {  	s29 =	simm.s32 $0x66;
	v4 =	vshrl.u32 v4, $0x7;
	v20 =	vadd.s32 s9, v0;
	v18 =	vmul.u32 $0x401, v18;
	v9 =	vld [tilespmem:s28+$0xFFFFFFE0]  }
0x8c: {  	v20 =	vand.u32 $0x7, v20;
	v1 =	vadd.s32 s29, v0;
	v8 =	vadd.f32 v10, v8;
	v10 =	vld.idx.msk [tilespmem:v5+s5+$0x0], $0xffff  }
0x8d: {  	v20 =	vmul.u32 $0x401, v20;
	v2 =	vadd.s32 v18, v2;
	v18 =	vld.idx.msk [tilespmem:v6+s5+$0x0], $0xffff;
	v1 =	vand.u32 $0x7, v1  }
0x8e: {  	s6 =	simm.s32 $0x3300;
	v25 =	vshrl.u32 v16, $0x7;
	v13 =	vmul.f32 v13, v17;
	v17 =	vld.idx.msk [tilespmem:v23+s4+$0x0], $0xffff;
	v1 =	vmul.u32 $0x401, v1  }
0x8f: {  	v3 =	vadd.s32 v20, v3;
	v11 =	vmul.f32 v11, v19;
	v19 =	vshrl.u32 v21, $0x7;
	[tilespmem:v14+s6+$0x0] =	vst.idx.add.f32.msk $0xffff, v8  }
0x90: {  	s7 =	simm.s32 $0x6B0;
	v6 =	vand.u32 $0x7F, v22;
	v1 =	vadd.s32 v1, v4;
	v8 =	vmul.f32 v12, v15;
	v12 =	vld.idx.msk [tilespmem:v7+s5+$0x0], $0xffff  }
0x91: {  	s8 =	simm.s32 $0x6B;
	v4 =	vand.u32 $0x7F, v21;
	v21 =	vshrl.u32 v22, $0x7;
	v7 =	vadd.f32 v10, v11;
	v10 =	vld [tilespmem:s7+$0x0]  }
0x92: {  	s10 =	simm.s32 $0x69;
	v5 =	vand.u32 $0x7F, v9;
	v20 =	vshrl.u32 v9, $0x7;
	v9 =	vadd.s32 s8, v0  }
0x93: {  	s30 =	simm.s32 $0x68;
	s31 =	simm.s32 $0x6A;
	v16 =	vld [tilespmem:s7+$0xFFFFFFE0];
	v14 =	vadd.s32 s10, v0;
	v15 =	vand.u32 $0x7, v9;
	v8 =	vadd.f32 v18, v8  }
0x94: {  	v22 =	vld.idx.msk [tilespmem:v23+s5+$0x0], $0xffff;
	v11 =	vadd.s32 s30, v0;
	v18 =	vadd.s32 s31, v0;
	v23 =	vmul.u32 $0x401, v15  }
0x95: {  	v24 =	vand.u32 $0x7, v14;
	v15 =	vld.idx.msk [tilespmem:v6+s4+$0x0], $0xffff;
	v11 =	vand.u32 $0x7, v11;
	v18 =	vand.u32 $0x7, v18  }
0x96: {  	v9 =	vld.idx.msk [tilespmem:v4+s4+$0x0], $0xffff;
	v11 =	vmul.u32 $0x401, v11;
	v26 =	vmul.f32 v17, v10;
	v17 =	vadd.s32 v23, v25  }
0x97: {  	v24 =	vmul.u32 $0x401, v24;
	v27 =	vmul.u32 $0x401, v18;
	v14 =	vld.idx.msk [tilespmem:v5+s4+$0x0], $0xffff  }
0x98: {  	v18 =	vld [tilespmem:s7+$0xFFFFFFF0];
	v10 =	vadd.f32 v12, v13;
	v12 =	vadd.s32 v11, v19  }
0x99: {  	s9 =	simm.s32 $0x680;
	s10 =	simm.s32 $0x1FF0;
	v11 =	vadd.s32 v24, v20;
	v19 =	vld [tilespmem:s7+$0xFFFFFFD0];
	v13 =	vadd.s32 v27, v21;
	v20 =	vadd.f32 v22, v26  }
.LBB2_5:
0x9a: {  	v21 =	vld [tilespmem:s10+$0x0]  }
0x9b: {  	s9 =	sadd.s32 $0x40, s9;
	[tilespmem:v17+s6+$0x0] =	vst.idx.add.f32.msk $0xffff, v20  }
0x9c: {  	p0 =	slt.u32 s9, $0xC40;
	v17 =	vld [tilespmem:s10+$0xFFFFFFD0];
	v14 =	vmul.f32 v14, v16  }
0x9d: {  	v16 =	vld [tilespmem:s10+$0xFFFFFFE0];
	v18 =	vmul.f32 v15, v18  }
0x9e: {  	v15 =	vld [tilespmem:s10+$0xFFFFFFF0];
	v9 =	vmul.f32 v9, v19  }
0x9f: {  	v19 =	vld.idx.msk [tilespmem:v4+s5+$0x0], $0xffff  }
0xa0: {  	v20 =	vand.u32 $0x7F, v21;
	v22 =	vld.idx.msk [tilespmem:v5+s5+$0x0], $0xffff  }
0xa1: {  	v4 =	vand.u32 $0x7F, v17;
	v23 =	vshrl.u32 v17, $0x7;
	v24 =	vld.idx.msk [tilespmem:v6+s5+$0x0], $0xffff  }
0xa2: {  	v5 =	vand.u32 $0x7F, v16;
	v25 =	vshrl.u32 v16, $0x7;
	[tilespmem:v2+s6+$0x0] =	vst.idx.add.f32.msk $0xffff, v7;
	v2 =	vmov v12  }
0xa3: {  	v6 =	vand.u32 $0x7F, v15;
	v26 =	vshrl.u32 v15, $0x7;
	[tilespmem:v3+s6+$0x0] =	vst.idx.add.f32.msk $0xffff, v8;
	v3 =	vmov v11  }
0xa4: {  	[tilespmem:v1+s6+$0x0] =	vst.idx.add.f32.msk $0xffff, v10;
	v1 =	vmov v13  }
0xa5: {  	s7 =	sadd.s32 $0x40, s7;
	s8 =	sadd.s32 $0x4, s8;
	v7 =	vadd.f32 v19, v9;
	v10 =	vld.idx.msk [tilespmem:v20+s4+$0x0], $0xffff  }
0xa6: {  	s11 =	sadd.s32 $0xFFFFFFFD, s8;
	s12 =	sadd.s32 $0xFFFFFFFE, s8;
	s13 =	sadd.s32 $0xFFFFFFFF, s8;
	v9 =	vadd.s32 s8, v0;
	v8 =	vadd.f32 v22, v14;
	v11 =	vld [tilespmem:s7+$0x0]  }
0xa7: {  	v12 =	vadd.s32 s11, v0;
	v13 =	vadd.s32 s12, v0;
	v14 =	vand.u32 $0x7, v9;
	v20 =	vld.idx.msk [tilespmem:v20+s5+$0x0], $0xffff  }
0xa8: {  	v12 =	vand.u32 $0x7, v12;
	v15 =	vadd.s32 s13, v0;
	v16 =	vmul.u32 $0x401, v14;
	v9 =	vld.idx.msk [tilespmem:v4+s4+$0x0], $0xffff  }
.Ltmp2:
0xa9: {  	v17 =	vshrl.u32 v21, $0x7;
	v19 =	vand.u32 $0x7, v15;
	v13 =	vand.u32 $0x7, v13;
	v14 =	vld.idx.msk [tilespmem:v5+s4+$0x0], $0xffff;
	(pc) =	sbr.rel @p0 .LBB2_5-.Ltmp2, $4  }
0xaa: {  	v12 =	vmul.u32 $0x401, v12;
	v13 =	vmul.u32 $0x401, v13;
	v17 =	vadd.s32 v16, v17;
	v15 =	vld.idx.msk [tilespmem:v6+s4+$0x0], $0xffff  }
0xab: {  	v21 =	vmul.u32 $0x401, v19;
	v16 =	vld [tilespmem:s7+$0xFFFFFFE0];
	v22 =	vmul.f32 v10, v11;
	v10 =	vadd.f32 v24, v18  }
0xac: {  	v12 =	vadd.s32 v12, v23;
	v11 =	vadd.s32 v13, v25;
	v18 =	vld [tilespmem:s7+$0xFFFFFFF0]  }
0xad: {  	s10 =	sadd.s32 $0x40, s10;
	v13 =	vadd.s32 v21, v26;
	v19 =	vld [tilespmem:s7+$0xFFFFFFD0];
	v20 =	vadd.f32 v20, v22  }
0xae: {  	_ =	sdelay $0x3  }
0xaf: {  	v0 =	vld.idx.msk [tilespmem:v4+s5+$0x0], $0xffff  }
0xb0: {  	v4 =	vld.idx.msk [tilespmem:v5+s5+$0x0], $0xffff  }
0xb1: {  	v5 =	vld.idx.msk [tilespmem:v6+s5+$0x0], $0xffff;
	_ =	sdelay $0x2  }
0xb2: {  	[tilespmem:v2+s6+$0x0] =	vst.idx.add.f32.msk $0xffff, v7;
	v2 =	vmul.f32 v15, v18  }
0xb3: {  	[tilespmem:v3+s6+$0x0] =	vst.idx.add.f32.msk $0xffff, v8;
	v6 =	vmul.f32 v9, v19  }
0xb4: {  	[tilespmem:v1+s6+$0x0] =	vst.idx.add.f32.msk $0xffff, v10;
	v9 =	vmul.f32 v14, v16;
	v2 =	vadd.f32 v5, v2  }
0xb5: {  	[tilespmem:v17+s6+$0x0] =	vst.idx.add.f32.msk $0xffff, v20;
	v0 =	vadd.f32 v0, v6  }
0xb6: {  	v1 =	vadd.f32 v4, v9;
	[tilespmem:v13+s6+$0x0] =	vst.idx.add.f32.msk $0xffff, v2  }
0xb7: {  	[tilespmem:v12+s6+$0x0] =	vst.idx.add.f32.msk $0xffff, v0  }
0xb8: {  	s4 =	simm.s32 $0x3;
	[tilespmem:v11+s6+$0x0] =	vst.idx.add.f32.msk $0xffff, v1  }
0xb9: {  	_ =	swait.ge [sflag:s4], $0x640  }
0xba: {  	[sflag:s4] =	ssyncset.done $0x0  }
0xbb: {  	[sflag:s4] =	ssyncadd.s32 $0xFFFFF9C0  }
0xbc: {  	_ =	swait.ge [sflag:s4], $0x640  }
0xbd: {  	[sflag:s4] =	ssyncset.done $0x0  }
0xbe: {  	s25 =	simm.s32 $0x25B0;
	[sflag:s4] =	ssyncadd.s32 $0xFFFFF9C0  }
0xbf: {  	v1 =	vld [tilespmem:s25+$0x0];
	_ =	sdelay $0x1  }
0xc0: {  	v2 =	vld [tilespmem:s25+$0xFFFFFFD0]  }
0xc1: {  	v3 =	vld [tilespmem:s25+$0xFFFFFFE0]  }
0xc2: {  	s26 =	simm.s32 $0xCB0;
	v4 =	vld [tilespmem:s25+$0xFFFFFFF0]  }
0xc3: {  	v9 =	vld [tilespmem:s26+$0x0];
	v0 =	vand.u32 $0x7F, v1  }
0xc4: {  	s28 =	simm.s32 $0x25F0;
	v15 =	vld [tilespmem:s26+$0xFFFFFFE0]  }
0xc5: {  	v16 =	vld [tilespmem:s28+$0x0]  }
0xc6: {  	v17 =	vld [tilespmem:s26+$0xFFFFFFF0]  }
0xc7: {  	s4 =	simm.s32 $0x3200;
	v19 =	vld [tilespmem:s26+$0xFFFFFFD0];
	v5 =	vand.u32 $0x7F, v2  }
0xc8: {  	s5 =	simm.s32 $0x3280;
	v7 =	vand.u32 $0x7F, v4;
	v8 =	vld.idx.msk [tilespmem:v0+s4+$0x0], $0xffff  }
0xc9: {  	s7 =	simm.s32 $0xCB;
	v6 =	vand.u32 $0x7F, v3;
	v10 =	vld.idx.msk [tilespmem:v0+s5+$0x0], $0xffff;
	v0 =	vlaneseq.u32  }
0xca: {  	v21 =	vld [tilespmem:s28+$0xFFFFFFD0];
	v14 =	vadd.s32 s7, v0  }
0xcb: {  	v22 =	vld [tilespmem:s28+$0xFFFFFFF0];
	v14 =	vand.u32 $0x7, v14  }
0xcc: {  	s8 =	simm.s32 $0xC8;
	v2 =	vshrl.u32 v2, $0x7;
	v1 =	vshrl.u32 v1, $0x7;
	v11 =	vld.idx.msk [tilespmem:v5+s4+$0x0], $0xffff;
	v14 =	vmul.u32 $0x401, v14  }
0xcd: {  	v23 =	vand.u32 $0x7F, v16;
	v3 =	vshrl.u32 v3, $0x7;
	v13 =	vld.idx.msk [tilespmem:v7+s4+$0x0], $0xffff;
	v18 =	vadd.s32 s8, v0  }
0xce: {  	s9 =	simm.s32 $0xC9;
	v12 =	vld.idx.msk [tilespmem:v6+s4+$0x0], $0xffff;
	v18 =	vand.u32 $0x7, v18;
	v14 =	vadd.s32 v14, v1;
	v8 =	vmul.f32 v8, v9  }
0xcf: {  	s29 =	simm.s32 $0xCA;
	v4 =	vshrl.u32 v4, $0x7;
	v20 =	vadd.s32 s9, v0;
	v18 =	vmul.u32 $0x401, v18;
	v9 =	vld [tilespmem:s28+$0xFFFFFFE0]  }
0xd0: {  	v20 =	vand.u32 $0x7, v20;
	v1 =	vadd.s32 s29, v0;
	v8 =	vadd.f32 v10, v8;
	v10 =	vld.idx.msk [tilespmem:v5+s5+$0x0], $0xffff  }
0xd1: {  	v20 =	vmul.u32 $0x401, v20;
	v2 =	vadd.s32 v18, v2;
	v18 =	vld.idx.msk [tilespmem:v6+s5+$0x0], $0xffff;
	v1 =	vand.u32 $0x7, v1  }
0xd2: {  	s6 =	simm.s32 $0x3300;
	v25 =	vshrl.u32 v16, $0x7;
	v13 =	vmul.f32 v13, v17;
	v17 =	vld.idx.msk [tilespmem:v23+s4+$0x0], $0xffff;
	v1 =	vmul.u32 $0x401, v1  }
0xd3: {  	v3 =	vadd.s32 v20, v3;
	v11 =	vmul.f32 v11, v19;
	v19 =	vshrl.u32 v21, $0x7;
	[tilespmem:v14+s6+$0x0] =	vst.idx.add.f32.msk $0xffff, v8  }
0xd4: {  	s7 =	simm.s32 $0xCF0;
	v6 =	vand.u32 $0x7F, v22;
	v1 =	vadd.s32 v1, v4;
	v8 =	vmul.f32 v12, v15;
	v12 =	vld.idx.msk [tilespmem:v7+s5+$0x0], $0xffff  }
0xd5: {  	s8 =	simm.s32 $0xCF;
	v4 =	vand.u32 $0x7F, v21;
	v21 =	vshrl.u32 v22, $0x7;
	v7 =	vadd.f32 v10, v11;
	v10 =	vld [tilespmem:s7+$0x0]  }
0xd6: {  	s10 =	simm.s32 $0xCD;
	v5 =	vand.u32 $0x7F, v9;
	v20 =	vshrl.u32 v9, $0x7;
	v9 =	vadd.s32 s8, v0  }
0xd7: {  	s30 =	simm.s32 $0xCC;
	s31 =	simm.s32 $0xCE;
	v16 =	vld [tilespmem:s7+$0xFFFFFFE0];
	v14 =	vadd.s32 s10, v0;
	v15 =	vand.u32 $0x7, v9;
	v8 =	vadd.f32 v18, v8  }
0xd8: {  	v22 =	vld.idx.msk [tilespmem:v23+s5+$0x0], $0xffff;
	v11 =	vadd.s32 s30, v0;
	v18 =	vadd.s32 s31, v0;
	v23 =	vmul.u32 $0x401, v15  }
0xd9: {  	v24 =	vand.u32 $0x7, v14;
	v15 =	vld.idx.msk [tilespmem:v6+s4+$0x0], $0xffff;
	v11 =	vand.u32 $0x7, v11;
	v18 =	vand.u32 $0x7, v18  }
0xda: {  	v9 =	vld.idx.msk [tilespmem:v4+s4+$0x0], $0xffff;
	v11 =	vmul.u32 $0x401, v11;
	v26 =	vmul.f32 v17, v10;
	v17 =	vadd.s32 v23, v25  }
0xdb: {  	v24 =	vmul.u32 $0x401, v24;
	v27 =	vmul.u32 $0x401, v18;
	v14 =	vld.idx.msk [tilespmem:v5+s4+$0x0], $0xffff  }
0xdc: {  	v18 =	vld [tilespmem:s7+$0xFFFFFFF0];
	v10 =	vadd.f32 v12, v13;
	v12 =	vadd.s32 v11, v19  }
0xdd: {  	s9 =	simm.s32 $0xCC0;
	s10 =	simm.s32 $0x2630;
	v11 =	vadd.s32 v24, v20;
	v19 =	vld [tilespmem:s7+$0xFFFFFFD0];
	v13 =	vadd.s32 v27, v21;
	v20 =	vadd.f32 v22, v26  }
.LBB2_7:
0xde: {  	v21 =	vld [tilespmem:s10+$0x0]  }
0xdf: {  	s9 =	sadd.s32 $0x40, s9;
	[tilespmem:v17+s6+$0x0] =	vst.idx.add.f32.msk $0xffff, v20  }
0xe0: {  	p0 =	slt.u32 s9, $0x1280;
	v17 =	vld [tilespmem:s10+$0xFFFFFFD0];
	v14 =	vmul.f32 v14, v16  }
0xe1: {  	v16 =	vld [tilespmem:s10+$0xFFFFFFE0];
	v18 =	vmul.f32 v15, v18  }
0xe2: {  	v15 =	vld [tilespmem:s10+$0xFFFFFFF0];
	v9 =	vmul.f32 v9, v19  }
0xe3: {  	v19 =	vld.idx.msk [tilespmem:v4+s5+$0x0], $0xffff  }
0xe4: {  	v20 =	vand.u32 $0x7F, v21;
	v22 =	vld.idx.msk [tilespmem:v5+s5+$0x0], $0xffff  }
0xe5: {  	v4 =	vand.u32 $0x7F, v17;
	v23 =	vshrl.u32 v17, $0x7;
	v24 =	vld.idx.msk [tilespmem:v6+s5+$0x0], $0xffff  }
0xe6: {  	v5 =	vand.u32 $0x7F, v16;
	v25 =	vshrl.u32 v16, $0x7;
	[tilespmem:v2+s6+$0x0] =	vst.idx.add.f32.msk $0xffff, v7;
	v2 =	vmov v12  }
0xe7: {  	v6 =	vand.u32 $0x7F, v15;
	v26 =	vshrl.u32 v15, $0x7;
	[tilespmem:v3+s6+$0x0] =	vst.idx.add.f32.msk $0xffff, v8;
	v3 =	vmov v11  }
0xe8: {  	[tilespmem:v1+s6+$0x0] =	vst.idx.add.f32.msk $0xffff, v10;
	v1 =	vmov v13  }
0xe9: {  	s7 =	sadd.s32 $0x40, s7;
	s8 =	sadd.s32 $0x4, s8;
	v7 =	vadd.f32 v19, v9;
	v10 =	vld.idx.msk [tilespmem:v20+s4+$0x0], $0xffff  }
0xea: {  	s11 =	sadd.s32 $0xFFFFFFFD, s8;
	s12 =	sadd.s32 $0xFFFFFFFE, s8;
	s13 =	sadd.s32 $0xFFFFFFFF, s8;
	v9 =	vadd.s32 s8, v0;
	v8 =	vadd.f32 v22, v14;
	v11 =	vld [tilespmem:s7+$0x0]  }
0xeb: {  	v12 =	vadd.s32 s11, v0;
	v13 =	vadd.s32 s12, v0;
	v14 =	vand.u32 $0x7, v9;
	v20 =	vld.idx.msk [tilespmem:v20+s5+$0x0], $0xffff  }
0xec: {  	v12 =	vand.u32 $0x7, v12;
	v15 =	vadd.s32 s13, v0;
	v16 =	vmul.u32 $0x401, v14;
	v9 =	vld.idx.msk [tilespmem:v4+s4+$0x0], $0xffff  }
.Ltmp3:
0xed: {  	v17 =	vshrl.u32 v21, $0x7;
	v19 =	vand.u32 $0x7, v15;
	v13 =	vand.u32 $0x7, v13;
	v14 =	vld.idx.msk [tilespmem:v5+s4+$0x0], $0xffff;
	(pc) =	sbr.rel @p0 .LBB2_7-.Ltmp3, $4  }
0xee: {  	v12 =	vmul.u32 $0x401, v12;
	v13 =	vmul.u32 $0x401, v13;
	v17 =	vadd.s32 v16, v17;
	v15 =	vld.idx.msk [tilespmem:v6+s4+$0x0], $0xffff  }
0xef: {  	v21 =	vmul.u32 $0x401, v19;
	v16 =	vld [tilespmem:s7+$0xFFFFFFE0];
	v22 =	vmul.f32 v10, v11;
	v10 =	vadd.f32 v24, v18  }
0xf0: {  	v12 =	vadd.s32 v12, v23;
	v11 =	vadd.s32 v13, v25;
	v18 =	vld [tilespmem:s7+$0xFFFFFFF0]  }
0xf1: {  	s10 =	sadd.s32 $0x40, s10;
	v13 =	vadd.s32 v21, v26;
	v19 =	vld [tilespmem:s7+$0xFFFFFFD0];
	v20 =	vadd.f32 v20, v22  }
0xf2: {  	_ =	sdelay $0x3  }
0xf3: {  	v0 =	vld.idx.msk [tilespmem:v4+s5+$0x0], $0xffff  }
0xf4: {  	v4 =	vld.idx.msk [tilespmem:v5+s5+$0x0], $0xffff  }
0xf5: {  	v5 =	vld.idx.msk [tilespmem:v6+s5+$0x0], $0xffff;
	_ =	sdelay $0x2  }
0xf6: {  	[tilespmem:v2+s6+$0x0] =	vst.idx.add.f32.msk $0xffff, v7;
	v2 =	vmul.f32 v15, v18  }
0xf7: {  	[tilespmem:v3+s6+$0x0] =	vst.idx.add.f32.msk $0xffff, v8;
	v6 =	vmul.f32 v9, v19  }
0xf8: {  	[tilespmem:v1+s6+$0x0] =	vst.idx.add.f32.msk $0xffff, v10;
	v9 =	vmul.f32 v14, v16;
	v2 =	vadd.f32 v5, v2  }
0xf9: {  	[tilespmem:v17+s6+$0x0] =	vst.idx.add.f32.msk $0xffff, v20;
	v0 =	vadd.f32 v0, v6  }
0xfa: {  	v1 =	vadd.f32 v4, v9;
	[tilespmem:v13+s6+$0x0] =	vst.idx.add.f32.msk $0xffff, v2  }
0xfb: {  	[tilespmem:v12+s6+$0x0] =	vst.idx.add.f32.msk $0xffff, v0  }
0xfc: {  	s4 =	simm.s32 $0x4;
	[tilespmem:v11+s6+$0x0] =	vst.idx.add.f32.msk $0xffff, v1  }
0xfd: {  	_ =	swait.ge [sflag:s4], $0x640  }
0xfe: {  	[sflag:s4] =	ssyncset.done $0x0  }
0xff: {  	[sflag:s4] =	ssyncadd.s32 $0xFFFFF9C0  }
0x100: {  	_ =	swait.ge [sflag:s4], $0x640  }
0x101: {  	[sflag:s4] =	ssyncset.done $0x0  }
0x102: {  	s25 =	simm.s32 $0x2BF0;
	[sflag:s4] =	ssyncadd.s32 $0xFFFFF9C0  }
0x103: {  	v1 =	vld [tilespmem:s25+$0x0];
	_ =	sdelay $0x1  }
0x104: {  	v2 =	vld [tilespmem:s25+$0xFFFFFFD0]  }
0x105: {  	v3 =	vld [tilespmem:s25+$0xFFFFFFE0]  }
0x106: {  	s26 =	simm.s32 $0x12F0;
	v4 =	vld [tilespmem:s25+$0xFFFFFFF0]  }
0x107: {  	v9 =	vld [tilespmem:s26+$0x0];
	v0 =	vand.u32 $0x7F, v1  }
0x108: {  	s28 =	simm.s32 $0x2C30;
	v15 =	vld [tilespmem:s26+$0xFFFFFFE0]  }
0x109: {  	v16 =	vld [tilespmem:s28+$0x0]  }
0x10a: {  	v17 =	vld [tilespmem:s26+$0xFFFFFFF0]  }
0x10b: {  	s4 =	simm.s32 $0x3200;
	v19 =	vld [tilespmem:s26+$0xFFFFFFD0];
	v5 =	vand.u32 $0x7F, v2  }
0x10c: {  	s5 =	simm.s32 $0x3280;
	v7 =	vand.u32 $0x7F, v4;
	v8 =	vld.idx.msk [tilespmem:v0+s4+$0x0], $0xffff  }
0x10d: {  	s7 =	simm.s32 $0x12F;
	v6 =	vand.u32 $0x7F, v3;
	v10 =	vld.idx.msk [tilespmem:v0+s5+$0x0], $0xffff;
	v0 =	vlaneseq.u32  }
0x10e: {  	v21 =	vld [tilespmem:s28+$0xFFFFFFD0];
	v14 =	vadd.s32 s7, v0  }
0x10f: {  	v22 =	vld [tilespmem:s28+$0xFFFFFFF0];
	v14 =	vand.u32 $0x7, v14  }
0x110: {  	s8 =	simm.s32 $0x12C;
	v2 =	vshrl.u32 v2, $0x7;
	v1 =	vshrl.u32 v1, $0x7;
	v11 =	vld.idx.msk [tilespmem:v5+s4+$0x0], $0xffff;
	v14 =	vmul.u32 $0x401, v14  }
0x111: {  	v23 =	vand.u32 $0x7F, v16;
	v3 =	vshrl.u32 v3, $0x7;
	v13 =	vld.idx.msk [tilespmem:v7+s4+$0x0], $0xffff;
	v18 =	vadd.s32 s8, v0  }
0x112: {  	s9 =	simm.s32 $0x12D;
	v12 =	vld.idx.msk [tilespmem:v6+s4+$0x0], $0xffff;
	v18 =	vand.u32 $0x7, v18;
	v14 =	vadd.s32 v14, v1;
	v8 =	vmul.f32 v8, v9  }
0x113: {  	s29 =	simm.s32 $0x12E;
	v4 =	vshrl.u32 v4, $0x7;
	v20 =	vadd.s32 s9, v0;
	v18 =	vmul.u32 $0x401, v18;
	v9 =	vld [tilespmem:s28+$0xFFFFFFE0]  }
0x114: {  	v20 =	vand.u32 $0x7, v20;
	v1 =	vadd.s32 s29, v0;
	v8 =	vadd.f32 v10, v8;
	v10 =	vld.idx.msk [tilespmem:v5+s5+$0x0], $0xffff  }
0x115: {  	v20 =	vmul.u32 $0x401, v20;
	v2 =	vadd.s32 v18, v2;
	v18 =	vld.idx.msk [tilespmem:v6+s5+$0x0], $0xffff;
	v1 =	vand.u32 $0x7, v1  }
0x116: {  	s6 =	simm.s32 $0x3300;
	v25 =	vshrl.u32 v16, $0x7;
	v13 =	vmul.f32 v13, v17;
	v17 =	vld.idx.msk [tilespmem:v23+s4+$0x0], $0xffff;
	v1 =	vmul.u32 $0x401, v1  }
0x117: {  	v3 =	vadd.s32 v20, v3;
	v11 =	vmul.f32 v11, v19;
	v19 =	vshrl.u32 v21, $0x7;
	[tilespmem:v14+s6+$0x0] =	vst.idx.add.f32.msk $0xffff, v8  }
0x118: {  	s7 =	simm.s32 $0x1330;
	v6 =	vand.u32 $0x7F, v22;
	v1 =	vadd.s32 v1, v4;
	v8 =	vmul.f32 v12, v15;
	v12 =	vld.idx.msk [tilespmem:v7+s5+$0x0], $0xffff  }
0x119: {  	s8 =	simm.s32 $0x133;
	v4 =	vand.u32 $0x7F, v21;
	v21 =	vshrl.u32 v22, $0x7;
	v7 =	vadd.f32 v10, v11;
	v10 =	vld [tilespmem:s7+$0x0]  }
0x11a: {  	s10 =	simm.s32 $0x131;
	v5 =	vand.u32 $0x7F, v9;
	v20 =	vshrl.u32 v9, $0x7;
	v9 =	vadd.s32 s8, v0  }
0x11b: {  	s30 =	simm.s32 $0x130;
	s31 =	simm.s32 $0x132;
	v16 =	vld [tilespmem:s7+$0xFFFFFFE0];
	v14 =	vadd.s32 s10, v0;
	v15 =	vand.u32 $0x7, v9;
	v8 =	vadd.f32 v18, v8  }
0x11c: {  	v22 =	vld.idx.msk [tilespmem:v23+s5+$0x0], $0xffff;
	v11 =	vadd.s32 s30, v0;
	v18 =	vadd.s32 s31, v0;
	v23 =	vmul.u32 $0x401, v15  }
0x11d: {  	v24 =	vand.u32 $0x7, v14;
	v15 =	vld.idx.msk [tilespmem:v6+s4+$0x0], $0xffff;
	v11 =	vand.u32 $0x7, v11;
	v18 =	vand.u32 $0x7, v18  }
0x11e: {  	v9 =	vld.idx.msk [tilespmem:v4+s4+$0x0], $0xffff;
	v11 =	vmul.u32 $0x401, v11;
	v26 =	vmul.f32 v17, v10;
	v17 =	vadd.s32 v23, v25  }
0x11f: {  	v24 =	vmul.u32 $0x401, v24;
	v27 =	vmul.u32 $0x401, v18;
	v14 =	vld.idx.msk [tilespmem:v5+s4+$0x0], $0xffff  }
0x120: {  	v18 =	vld [tilespmem:s7+$0xFFFFFFF0];
	v10 =	vadd.f32 v12, v13;
	v12 =	vadd.s32 v11, v19  }
0x121: {  	s9 =	simm.s32 $0x1300;
	s10 =	simm.s32 $0x2C70;
	v11 =	vadd.s32 v24, v20;
	v19 =	vld [tilespmem:s7+$0xFFFFFFD0];
	v13 =	vadd.s32 v27, v21;
	v20 =	vadd.f32 v22, v26  }
.LBB2_9:
0x122: {  	v21 =	vld [tilespmem:s10+$0x0]  }
0x123: {  	s9 =	sadd.s32 $0x40, s9;
	[tilespmem:v17+s6+$0x0] =	vst.idx.add.f32.msk $0xffff, v20  }
0x124: {  	p0 =	slt.u32 s9, $0x18C0;
	v17 =	vld [tilespmem:s10+$0xFFFFFFD0];
	v14 =	vmul.f32 v14, v16  }
0x125: {  	v16 =	vld [tilespmem:s10+$0xFFFFFFE0];
	v18 =	vmul.f32 v15, v18  }
0x126: {  	v15 =	vld [tilespmem:s10+$0xFFFFFFF0];
	v9 =	vmul.f32 v9, v19  }
0x127: {  	v19 =	vld.idx.msk [tilespmem:v4+s5+$0x0], $0xffff  }
0x128: {  	v20 =	vand.u32 $0x7F, v21;
	v22 =	vld.idx.msk [tilespmem:v5+s5+$0x0], $0xffff  }
0x129: {  	v4 =	vand.u32 $0x7F, v17;
	v23 =	vshrl.u32 v17, $0x7;
	v24 =	vld.idx.msk [tilespmem:v6+s5+$0x0], $0xffff  }
0x12a: {  	v5 =	vand.u32 $0x7F, v16;
	v25 =	vshrl.u32 v16, $0x7;
	[tilespmem:v2+s6+$0x0] =	vst.idx.add.f32.msk $0xffff, v7;
	v2 =	vmov v12  }
0x12b: {  	v6 =	vand.u32 $0x7F, v15;
	v26 =	vshrl.u32 v15, $0x7;
	[tilespmem:v3+s6+$0x0] =	vst.idx.add.f32.msk $0xffff, v8;
	v3 =	vmov v11  }
0x12c: {  	[tilespmem:v1+s6+$0x0] =	vst.idx.add.f32.msk $0xffff, v10;
	v1 =	vmov v13  }
0x12d: {  	s7 =	sadd.s32 $0x40, s7;
	s8 =	sadd.s32 $0x4, s8;
	v7 =	vadd.f32 v19, v9;
	v10 =	vld.idx.msk [tilespmem:v20+s4+$0x0], $0xffff  }
0x12e: {  	s11 =	sadd.s32 $0xFFFFFFFD, s8;
	s12 =	sadd.s32 $0xFFFFFFFE, s8;
	s13 =	sadd.s32 $0xFFFFFFFF, s8;
	v9 =	vadd.s32 s8, v0;
	v8 =	vadd.f32 v22, v14;
	v11 =	vld [tilespmem:s7+$0x0]  }
0x12f: {  	v12 =	vadd.s32 s11, v0;
	v13 =	vadd.s32 s12, v0;
	v14 =	vand.u32 $0x7, v9;
	v20 =	vld.idx.msk [tilespmem:v20+s5+$0x0], $0xffff  }
0x130: {  	v12 =	vand.u32 $0x7, v12;
	v15 =	vadd.s32 s13, v0;
	v16 =	vmul.u32 $0x401, v14;
	v9 =	vld.idx.msk [tilespmem:v4+s4+$0x0], $0xffff  }
.Ltmp4:
0x131: {  	v17 =	vshrl.u32 v21, $0x7;
	v19 =	vand.u32 $0x7, v15;
	v13 =	vand.u32 $0x7, v13;
	v14 =	vld.idx.msk [tilespmem:v5+s4+$0x0], $0xffff;
	(pc) =	sbr.rel @p0 .LBB2_9-.Ltmp4, $4  }
0x132: {  	v12 =	vmul.u32 $0x401, v12;
	v13 =	vmul.u32 $0x401, v13;
	v17 =	vadd.s32 v16, v17;
	v15 =	vld.idx.msk [tilespmem:v6+s4+$0x0], $0xffff  }
0x133: {  	v21 =	vmul.u32 $0x401, v19;
	v16 =	vld [tilespmem:s7+$0xFFFFFFE0];
	v22 =	vmul.f32 v10, v11;
	v10 =	vadd.f32 v24, v18  }
0x134: {  	v12 =	vadd.s32 v12, v23;
	v11 =	vadd.s32 v13, v25;
	v18 =	vld [tilespmem:s7+$0xFFFFFFF0]  }
0x135: {  	s10 =	sadd.s32 $0x40, s10;
	v13 =	vadd.s32 v21, v26;
	v19 =	vld [tilespmem:s7+$0xFFFFFFD0];
	v20 =	vadd.f32 v20, v22  }
0x136: {  	_ =	sdelay $0x3  }
0x137: {  	v0 =	vld.idx.msk [tilespmem:v4+s5+$0x0], $0xffff  }
0x138: {  	v4 =	vld.idx.msk [tilespmem:v5+s5+$0x0], $0xffff  }
0x139: {  	v5 =	vld.idx.msk [tilespmem:v6+s5+$0x0], $0xffff;
	_ =	sdelay $0x2  }
0x13a: {  	[tilespmem:v2+s6+$0x0] =	vst.idx.add.f32.msk $0xffff, v7;
	v2 =	vmul.f32 v15, v18  }
0x13b: {  	[tilespmem:v3+s6+$0x0] =	vst.idx.add.f32.msk $0xffff, v8;
	v6 =	vmul.f32 v9, v19  }
0x13c: {  	[tilespmem:v1+s6+$0x0] =	vst.idx.add.f32.msk $0xffff, v10;
	v9 =	vmul.f32 v14, v16;
	v2 =	vadd.f32 v5, v2  }
0x13d: {  	[tilespmem:v17+s6+$0x0] =	vst.idx.add.f32.msk $0xffff, v20;
	v0 =	vadd.f32 v0, v6  }
0x13e: {  	v1 =	vadd.f32 v4, v9;
	[tilespmem:v13+s6+$0x0] =	vst.idx.add.f32.msk $0xffff, v2  }
0x13f: {  	[tilespmem:v12+s6+$0x0] =	vst.idx.add.f32.msk $0xffff, v0  }
0x140: {  	s4 =	simm.s32 $0x4304;
	[tilespmem:v11+s6+$0x0] =	vst.idx.add.f32.msk $0xffff, v1  }
0x141: {  	v0 =	vld [tilespmem:s4+$0xFFFFF00C]  }
0x142: {  	v1 =	vld [tilespmem:s4+$0xFFFFF40D]  }
0x143: {  	v2 =	vld [tilespmem:s4+$0xFFFFF80E]  }
0x144: {  	v3 =	vld [tilespmem:s4+$0xFFFFFC0F]  }
0x145: {  	v4 =	vld [tilespmem:s4+$0x10]  }
0x146: {  	v5 =	vld [tilespmem:s4+$0x411]  }
0x147: {  	v6 =	vld [tilespmem:s4+$0x812]  }
0x148: {  	v7 =	vld [tilespmem:s4+$0xC13]  }
0x149: {  	v8 =	vld [tilespmem:s4+$0xFFFFF3FD]  }
0x14a: {  	v9 =	vld [tilespmem:s4+$0xFFFFF7FE]  }
0x14b: {  	v10 =	vld [tilespmem:s4+$0xFFFFFBFF]  }
0x14c: {  	v11 =	vld [tilespmem:s4+$0x0]  }
0x14d: {  	v12 =	vld [tilespmem:s4+$0x401]  }
0x14e: {  	v13 =	vld [tilespmem:s4+$0x802]  }
0x14f: {  	v57 =	vld [tilespmem:s4+$0xC03]  }
0x150: {  	s31 =	simm.s32 $0x4324;
	v58 =	vld [tilespmem:s4+$0xFFFFEFFC]  }
0x151: {  	v59 =	vld [tilespmem:s31+$0xFFFFF00C]  }
0x152: {  	v17 =	vld [tilespmem:s31+$0xFFFFF40D]  }
0x153: {  	v60 =	vld [tilespmem:s31+$0xFFFFF80E]  }
0x154: {  	v61 =	vld [tilespmem:s31+$0xFFFFFC0F]  }
0x155: {  	v0 =	vadd.f32 v1, v0;
	v1 =	vadd.f32 v3, v2;
	v3 =	vld [tilespmem:s31+$0x10]  }
0x156: {  	v2 =	vadd.f32 v5, v4;
	v4 =	vadd.f32 v7, v6;
	v5 =	vld [tilespmem:s31+$0x411]  }
0x157: {  	v6 =	vadd.f32 v10, v9;
	v7 =	vadd.f32 v12, v11;
	v9 =	vld [tilespmem:s31+$0x812]  }
0x158: {  	v10 =	vadd.f32 v57, v13;
	v8 =	vadd.f32 v8, v58;
	v11 =	vld [tilespmem:s31+$0xC13]  }
0x159: {  	v62 =	vld [tilespmem:s31+$0xFFFFFBFF];
	v1 =	vadd.f32 v1, v0;
	v2 =	vadd.f32 v4, v2  }
0x15a: {  	v0 =	vld [tilespmem:s31+$0xFFFFF3FD];
	v4 =	vadd.f32 v10, v7;
	v6 =	vadd.f32 v6, v8  }
0x15b: {  	v10 =	vld [tilespmem:s31+$0xFFFFF7FE];
	v8 =	vadd.f32 v61, v60;
	v7 =	vadd.f32 v2, v1  }
0x15c: {  	v4 =	vadd.f32 v4, v6;
	v1 =	vld [tilespmem:s31+$0x0];
	v6 =	vadd.f32 v17, v59  }
0x15d: {  	v2 =	vld [tilespmem:s31+$0x401];
	v63 =	vadd.f32 v5, v3;
	v9 =	vadd.f32 v11, v9  }
0x15e: {  	s4 =	simm.s32 $0x5390;
	v3 =	vld [tilespmem:s31+$0x802]  }
0x15f: {  	v5 =	vld [tilespmem:s31+$0xC03];
	[tilespmem:s4+$0x0] =	vst v7;
	v7 =	vadd.f32 v8, v6;
	v8 =	vadd.f32 v9, v63  }
0x160: {  	s5 =	simm.s32 $0x20;
	s6 =	simm.s32 $0x4344;
	[tilespmem:s4+$0xFFFFFFF0] =	vst v4;
	v6 =	vld [tilespmem:s31+$0xFFFFEFFC];
	v4 =	vadd.f32 v62, v10  }
.LBB2_11:
0x161: {  	v9 =	vld [tilespmem:s6+$0xFFFFF00C];
	v7 =	vadd.f32 v8, v7  }
0x162: {  	s4 =	sadd.s32 $0x20, s4;
	v8 =	vld [tilespmem:s6+$0xFFFFF40D];
	v1 =	vadd.f32 v2, v1  }
0x163: {  	v2 =	vld [tilespmem:s6+$0xFFFFF80E];
	[tilespmem:s4+$0x0] =	vst v7  }
0x164: {  	v7 =	vld [tilespmem:s6+$0xFFFFFC0F];
	v3 =	vadd.f32 v5, v3  }
0x165: {  	v5 =	vld [tilespmem:s6+$0x10];
	v0 =	vadd.f32 v0, v6  }
0x166: {  	v6 =	vld [tilespmem:s6+$0x411];
	v1 =	vadd.f32 v3, v1  }
0x167: {  	v3 =	vld [tilespmem:s6+$0x812];
	v4 =	vadd.f32 v4, v0  }
0x168: {  	s5 =	sadd.s32 $0x20, s5;
	v10 =	vld [tilespmem:s6+$0xC13]  }
0x169: {  	p0 =	slt.u32 s5, $0x3E0;
	v0 =	vld [tilespmem:s6+$0xFFFFF3FD];
	v1 =	vadd.f32 v1, v4  }
0x16a: {  	v4 =	vld [tilespmem:s6+$0xFFFFF7FE]  }
0x16b: {  	v11 =	vld [tilespmem:s6+$0xFFFFFBFF];
	[tilespmem:s4+$0xFFFFFFF0] =	vst v1  }
.Ltmp5:
0x16c: {  	v8 =	vadd.f32 v8, v9;
	v7 =	vadd.f32 v7, v2;
	v1 =	vld [tilespmem:s6+$0x0];
	(pc) =	sbr.rel @p0 .LBB2_11-.Ltmp5, $4  }
0x16d: {  	v6 =	vadd.f32 v6, v5;
	v2 =	vld [tilespmem:s6+$0x401];
	v9 =	vadd.f32 v10, v3  }
0x16e: {  	v3 =	vld [tilespmem:s6+$0x802]  }
0x16f: {  	v7 =	vadd.f32 v7, v8;
	v5 =	vld [tilespmem:s6+$0xC03];
	v8 =	vadd.f32 v9, v6  }
0x170: {  	v6 =	vld [tilespmem:s6+$0xFFFFEFFC];
	v4 =	vadd.f32 v11, v4;
	s6 =	sadd.s32 $0x20, s6  }
0x171: {  	_ =	sdelay $0x2  }
0x172: {  	v1 =	vadd.f32 v2, v1  }
0x173: {  	v48 =	vadd.f32 v5, v3;
	v0 =	vadd.f32 v0, v6;
	_ =	sdelay $0x1  }
0x174: {  	v1 =	vadd.f32 v48, v1;
	v0 =	vadd.f32 v4, v0  }
0x175: {  	s5 =	sshll.u32 s0, $0xA;
	v49 =	vadd.f32 v8, v7;
	s6 =	sshll.u32 s0, $0x7  }
0x176: {  	s4 =	sadd.s32 $0x20, s4;
	s17 =	simm.s32 $0x80;
	s5 =	sand.u32 $0x2000, s5;
	v0 =	vadd.f32 v1, v0  }
0x177: {  	s18 =	simm.s32 $0x400;
	s6 =	sand.u32 $0x380, s6;
	s5 =	sadd.s32 s5, s3;
	[tilespmem:s4+$0x0] =	vst v49  }
0x178: {  	s7 =	simm.s32 $0x5380;
	s5 =	sadd.s32 s6, s5;
	[tilespmem:s4+$0xFFFFFFF0] =	vst v0;
	s4 =	simm.s32 $0x5  }
0x179: {  	[spmem:s5] =	stream.strided.scatter [tilespmem:s7], [sflag:$0x5], $0x400, s18, s17, $0x38;
	[tilespmem:$0x6400] =	vst v63  }
0x17a: {  	s19 =	sshll.u32 s0, $0x9;
	_ =	swait.ge [sflag:s4], $0x400  }
0x17b: {  	s20 =	sshll.u32 s0, $0x6;
	s5 =	sand.u32 $0x1C00, s19;
	[sflag:s4] =	ssyncset.done $0x0  }
0x17c: {  	s6 =	sand.u32 $0x40, s20;
	s21 =	sadd.s32 s5, s3;
	[sflag:s4] =	ssyncadd.s32 $0xFFFFFC00  }
0x17d: {  	s22 =	simm.s32 $0x5780;
	s3 =	sadd.s32 s6, s21;
	[bflag:$0x0] =	sbarrier.arrive $0xFFFF  }
0x17e: {  	[tilespmem:s22], [sflag:$0x1] =	stream.linear.gather [spmem:s3], $0x40, $0x38;
	[tilespmem:$0x6400] =	vst v63  }
0x17f: {  	s24 =	simm.s32 $0x5800;
	s23 =	sadd.s32 $0x80, s3  }
0x180: {  	[tilespmem:s24], [sflag:$0x1] =	stream.linear.gather [spmem:s23], $0x40, $0x38;
	[tilespmem:$0x6400] =	vst v63  }
0x181: {  	s26 =	simm.s32 $0x5880;
	s25 =	sadd.s32 $0x100, s3  }
0x182: {  	[tilespmem:s26], [sflag:$0x1] =	stream.linear.gather [spmem:s25], $0x40, $0x38;
	[tilespmem:$0x6400] =	vst v63  }
0x183: {  	s29 =	simm.s32 $0x5900;
	s28 =	sadd.s32 $0x180, s3  }
0x184: {  	[tilespmem:s29], [sflag:$0x1] =	stream.linear.gather [spmem:s28], $0x40, $0x38;
	[tilespmem:$0x6400] =	vst v63  }
0x185: {  	s31 =	simm.s32 $0x5980;
	s30 =	sadd.s32 $0x200, s3  }
0x186: {  	[tilespmem:s31], [sflag:$0x1] =	stream.linear.gather [spmem:s30], $0x40, $0x38;
	[tilespmem:$0x6400] =	vst v63  }
0x187: {  	s7 =	simm.s32 $0x5A00;
	s6 =	sadd.s32 $0x280, s3  }
0x188: {  	[tilespmem:s7], [sflag:$0x1] =	stream.linear.gather [spmem:s6], $0x40, $0x38;
	[tilespmem:$0x6400] =	vst v63  }
0x189: {  	s9 =	simm.s32 $0x5A80;
	s8 =	sadd.s32 $0x300, s3  }
0x18a: {  	[tilespmem:s9], [sflag:$0x1] =	stream.linear.gather [spmem:s8], $0x40, $0x38;
	[tilespmem:$0x6400] =	vst v63  }
0x18b: {  	s11 =	simm.s32 $0x5B00;
	s10 =	sadd.s32 $0x380, s3  }
0x18c: {  	[tilespmem:s11], [sflag:$0x1] =	stream.linear.gather [spmem:s10], $0x40, $0x38;
	[tilespmem:$0x6400] =	vst v63  }
0x18d: {  	s13 =	simm.s32 $0x5B80;
	s12 =	sadd.s32 $0x2000, s3  }
0x18e: {  	[tilespmem:s13], [sflag:$0x1] =	stream.linear.gather [spmem:s12], $0x40, $0x38;
	[tilespmem:$0x6400] =	vst v63  }
0x18f: {  	s15 =	simm.s32 $0x5C00;
	s14 =	sadd.s32 $0x2080, s3  }
0x190: {  	[tilespmem:s15], [sflag:$0x1] =	stream.linear.gather [spmem:s14], $0x40, $0x38;
	[tilespmem:$0x6400] =	vst v63  }
0x191: {  	s17 =	simm.s32 $0x5C80;
	s16 =	sadd.s32 $0x2100, s3  }
0x192: {  	[tilespmem:s17], [sflag:$0x1] =	stream.linear.gather [spmem:s16], $0x40, $0x38;
	[tilespmem:$0x6400] =	vst v63  }
0x193: {  	s19 =	simm.s32 $0x5D00;
	s18 =	sadd.s32 $0x2180, s3  }
0x194: {  	[tilespmem:s19], [sflag:$0x1] =	stream.linear.gather [spmem:s18], $0x40, $0x38;
	[tilespmem:$0x6400] =	vst v63  }
0x195: {  	s21 =	simm.s32 $0x5D80;
	s20 =	sadd.s32 $0x2200, s3  }
0x196: {  	[tilespmem:s21], [sflag:$0x1] =	stream.linear.gather [spmem:s20], $0x40, $0x38;
	[tilespmem:$0x6400] =	vst v63  }
0x197: {  	s22 =	sadd.s32 $0x2280, s3;
	s23 =	simm.s32 $0x5E00  }
0x198: {  	[tilespmem:s23], [sflag:$0x1] =	stream.linear.gather [spmem:s22], $0x40, $0x38;
	[tilespmem:$0x6400] =	vst v63  }
0x199: {  	s24 =	sadd.s32 $0x2300, s3;
	s25 =	simm.s32 $0x5E80  }
0x19a: {  	[tilespmem:s25], [sflag:$0x1] =	stream.linear.gather [spmem:s24], $0x40, $0x38;
	[tilespmem:$0x6400] =	vst v63  }
0x19b: {  	s3 =	sadd.s32 $0x2380, s3;
	s26 =	simm.s32 $0x5F00;
	s28 =	simm.s32 $0x1  }
0x19c: {  	[tilespmem:s26], [sflag:$0x1] =	stream.linear.gather [spmem:s3], $0x40, $0x38;
	[tilespmem:$0x6400] =	vst v63  }
0x19d: {  	_ =	swait.ge [sflag:s28], $0x40  }
0x19e: {  	[sflag:s28] =	ssyncset.done $0x0  }
0x19f: {  	[sflag:s28] =	ssyncadd.s32 $0xFFFFFFC0  }
0x1a0: {  	_ =	swait.ge [sflag:s28], $0x40  }
0x1a1: {  	[sflag:s28] =	ssyncset.done $0x0  }
0x1a2: {  	[sflag:s28] =	ssyncadd.s32 $0xFFFFFFC0  }
0x1a3: {  	_ =	swait.ge [sflag:s28], $0x40  }
0x1a4: {  	[sflag:s28] =	ssyncset.done $0x0  }
0x1a5: {  	[sflag:s28] =	ssyncadd.s32 $0xFFFFFFC0  }
0x1a6: {  	_ =	swait.ge [sflag:s28], $0x40  }
0x1a7: {  	[sflag:s28] =	ssyncset.done $0x0  }
0x1a8: {  	[sflag:s28] =	ssyncadd.s32 $0xFFFFFFC0  }
0x1a9: {  	_ =	swait.ge [sflag:s28], $0x40  }
0x1aa: {  	[sflag:s28] =	ssyncset.done $0x0  }
0x1ab: {  	[sflag:s28] =	ssyncadd.s32 $0xFFFFFFC0  }
0x1ac: {  	_ =	swait.ge [sflag:s28], $0x40  }
0x1ad: {  	[sflag:s28] =	ssyncset.done $0x0  }
0x1ae: {  	[sflag:s28] =	ssyncadd.s32 $0xFFFFFFC0  }
0x1af: {  	_ =	swait.ge [sflag:s28], $0x40  }
0x1b0: {  	[sflag:s28] =	ssyncset.done $0x0  }
0x1b1: {  	[sflag:s28] =	ssyncadd.s32 $0xFFFFFFC0  }
0x1b2: {  	_ =	swait.ge [sflag:s28], $0x40  }
0x1b3: {  	[sflag:s28] =	ssyncset.done $0x0  }
0x1b4: {  	[sflag:s28] =	ssyncadd.s32 $0xFFFFFFC0  }
0x1b5: {  	_ =	swait.ge [sflag:s28], $0x40  }
0x1b6: {  	[sflag:s28] =	ssyncset.done $0x0  }
0x1b7: {  	[sflag:s28] =	ssyncadd.s32 $0xFFFFFFC0  }
0x1b8: {  	_ =	swait.ge [sflag:s28], $0x40  }
0x1b9: {  	[sflag:s28] =	ssyncset.done $0x0  }
0x1ba: {  	[sflag:s28] =	ssyncadd.s32 $0xFFFFFFC0  }
0x1bb: {  	_ =	swait.ge [sflag:s28], $0x40  }
0x1bc: {  	[sflag:s28] =	ssyncset.done $0x0  }
0x1bd: {  	[sflag:s28] =	ssyncadd.s32 $0xFFFFFFC0  }
0x1be: {  	_ =	swait.ge [sflag:s28], $0x40  }
0x1bf: {  	[sflag:s28] =	ssyncset.done $0x0  }
0x1c0: {  	[sflag:s28] =	ssyncadd.s32 $0xFFFFFFC0  }
0x1c1: {  	_ =	swait.ge [sflag:s28], $0x40  }
0x1c2: {  	[sflag:s28] =	ssyncset.done $0x0  }
0x1c3: {  	[sflag:s28] =	ssyncadd.s32 $0xFFFFFFC0  }
0x1c4: {  	_ =	swait.ge [sflag:s28], $0x40  }
0x1c5: {  	[sflag:s28] =	ssyncset.done $0x0  }
0x1c6: {  	[sflag:s28] =	ssyncadd.s32 $0xFFFFFFC0  }
0x1c7: {  	_ =	swait.ge [sflag:s28], $0x40  }
0x1c8: {  	[sflag:s28] =	ssyncset.done $0x0  }
0x1c9: {  	[sflag:s28] =	ssyncadd.s32 $0xFFFFFFC0  }
0x1ca: {  	_ =	swait.ge [sflag:s28], $0x40  }
0x1cb: {  	[sflag:s28] =	ssyncset.done $0x0  }
0x1cc: {  	[sflag:s28] =	ssyncadd.s32 $0xFFFFFFC0  }
0x1cd: {  	v50 =	vld [tilespmem:$0x5780]  }
0x1ce: {  	v51 =	vld [tilespmem:$0x5800]  }
0x1cf: {  	v52 =	vld [tilespmem:$0x5880]  }
0x1d0: {  	v53 =	vld [tilespmem:$0x5900]  }
0x1d1: {  	v54 =	vld [tilespmem:$0x5980]  }
0x1d2: {  	v55 =	vld [tilespmem:$0x5A00]  }
0x1d3: {  	v56 =	vld [tilespmem:$0x5A80]  }
0x1d4: {  	v57 =	vld [tilespmem:$0x5B00]  }
0x1d5: {  	v58 =	vld [tilespmem:$0x5B80]  }
0x1d6: {  	v9 =	vld [tilespmem:$0x5C00]  }
0x1d7: {  	v10 =	vld [tilespmem:$0x5C80]  }
0x1d8: {  	v11 =	vld [tilespmem:$0x5D00]  }
0x1d9: {  	v12 =	vld [tilespmem:$0x5D80]  }
0x1da: {  	v13 =	vld [tilespmem:$0x5E00]  }
0x1db: {  	v14 =	vld [tilespmem:$0x5E80]  }
0x1dc: {  	v15 =	vld [tilespmem:$0x5F00]  }
0x1dd: {  	v16 =	vld [tilespmem:$0x5790]  }
0x1de: {  	v17 =	vld [tilespmem:$0x5810]  }
0x1df: {  	v18 =	vld [tilespmem:$0x5890]  }
0x1e0: {  	v19 =	vld [tilespmem:$0x5910]  }
0x1e1: {  	v20 =	vld [tilespmem:$0x5990]  }
0x1e2: {  	v21 =	vld [tilespmem:$0x5A10]  }
0x1e3: {  	v22 =	vld [tilespmem:$0x5A90]  }
0x1e4: {  	v23 =	vld [tilespmem:$0x5B10]  }
0x1e5: {  	v24 =	vld [tilespmem:$0x5B90]  }
0x1e6: {  	v25 =	vld [tilespmem:$0x5C10]  }
0x1e7: {  	v26 =	vld [tilespmem:$0x5C90]  }
0x1e8: {  	v27 =	vld [tilespmem:$0x5D10]  }
0x1e9: {  	v28 =	vld [tilespmem:$0x5D90]  }
0x1ea: {  	v29 =	vld [tilespmem:$0x5E10]  }
0x1eb: {  	v30 =	vld [tilespmem:$0x5E90]  }
0x1ec: {  	v31 =	vld [tilespmem:$0x5F10]  }
0x1ed: {  	v32 =	vld [tilespmem:$0x57A0]  }
0x1ee: {  	v33 =	vld [tilespmem:$0x5820]  }
0x1ef: {  	v34 =	vld [tilespmem:$0x58A0]  }
0x1f0: {  	v35 =	vld [tilespmem:$0x5920]  }
0x1f1: {  	v36 =	vld [tilespmem:$0x59A0]  }
0x1f2: {  	v37 =	vld [tilespmem:$0x5A20]  }
0x1f3: {  	v38 =	vld [tilespmem:$0x5AA0]  }
0x1f4: {  	v39 =	vld [tilespmem:$0x5B20]  }
0x1f5: {  	v40 =	vld [tilespmem:$0x5BA0]  }
0x1f6: {  	v41 =	vld [tilespmem:$0x5C20]  }
0x1f7: {  	v42 =	vld [tilespmem:$0x5CA0]  }
0x1f8: {  	v2 =	vld [tilespmem:$0x5D20]  }
0x1f9: {  	v5 =	vld [tilespmem:$0x5DA0];
	v0 =	vadd.f32 v51, v50;
	v59 =	vadd.f32 v53, v52  }
0x1fa: {  	v8 =	vld [tilespmem:$0x5E20];
	v60 =	vadd.f32 v55, v54;
	v61 =	vadd.f32 v57, v56  }
0x1fb: {  	v3 =	vld [tilespmem:$0x5F20];
	v62 =	vadd.f32 v9, v58;
	v63 =	vadd.f32 v11, v10  }
0x1fc: {  	v7 =	vld [tilespmem:$0x57B0];
	v43 =	vadd.f32 v13, v12;
	v44 =	vadd.f32 v15, v14  }
0x1fd: {  	v11 =	vld [tilespmem:$0x5EA0];
	v48 =	vadd.f32 v17, v16;
	v49 =	vadd.f32 v19, v18  }
0x1fe: {  	v12 =	vld [tilespmem:$0x5830];
	v50 =	vadd.f32 v21, v20;
	v51 =	vadd.f32 v23, v22  }
0x1ff: {  	v15 =	vld [tilespmem:$0x58B0];
	v52 =	vadd.f32 v25, v24;
	v53 =	vadd.f32 v27, v26  }
0x200: {  	v18 =	vld [tilespmem:$0x5930];
	v54 =	vadd.f32 v29, v28;
	v55 =	vadd.f32 v31, v30  }
0x201: {  	v56 =	vld [tilespmem:$0x59B0];
	v2 =	vadd.f32 v2, v42;
	v5 =	vadd.f32 v8, v5  }
0x202: {  	v58 =	vld [tilespmem:$0x5A30];
	v0 =	vadd.f32 v59, v0;
	v45 =	vadd.f32 v61, v60  }
0x203: {  	v28 =	vld [tilespmem:$0x5BB0];
	v46 =	vadd.f32 v63, v62;
	v47 =	vadd.f32 v44, v43  }
0x204: {  	v29 =	vld [tilespmem:$0x5C30];
	v9 =	vadd.f32 v49, v48;
	v57 =	vadd.f32 v51, v50  }
0x205: {  	v31 =	vld [tilespmem:$0x5CB0];
	v59 =	vadd.f32 v53, v52;
	v60 =	vadd.f32 v55, v54  }
0x206: {  	v61 =	vld [tilespmem:$0x5AB0];
	v43 =	vadd.f32 v33, v32;
	v44 =	vadd.f32 v35, v34  }
0x207: {  	v63 =	vld [tilespmem:$0x5B30];
	v49 =	vadd.f32 v41, v40;
	v0 =	vadd.f32 v45, v0  }
0x208: {  	v48 =	vld [tilespmem:$0x5DB0];
	v62 =	vadd.f32 v47, v46;
	v26 =	vadd.f32 v57, v9  }
0x209: {  	v50 =	vld [tilespmem:$0x5E30];
	v27 =	vadd.f32 v60, v59;
	v46 =	vadd.f32 v37, v36  }
0x20a: {  	v51 =	vld [tilespmem:$0x5EB0];
	v47 =	vadd.f32 v39, v38;
	v9 =	vadd.f32 v44, v43  }
0x20b: {  	v53 =	vld [tilespmem:$0x5F30];
	v2 =	vadd.f32 v2, v49;
	v3 =	vadd.f32 v3, v11  }
0x20c: {  	v45 =	vld [tilespmem:$0x5D30];
	v54 =	vadd.f32 v12, v7;
	v55 =	vadd.f32 v18, v15  }
0x20d: {  	v56 =	vadd.f32 v58, v56;
	v10 =	vadd.f32 v29, v28  }
0x20e: {  	v0 =	vadd.f32 v62, v0;
	v30 =	vadd.f32 v27, v26  }
0x20f: {  	v52 =	vadd.f32 v47, v46;
	v3 =	vadd.f32 v3, v5  }
0x210: {  	v4 =	vadd.f32 v63, v61;
	v57 =	vadd.f32 v50, v48  }
0x211: {  	v8 =	vadd.f32 v53, v51;
	v6 =	vadd.f32 v45, v31  }
0x212: {  	v5 =	vadd.f32 v55, v54;
	v4 =	vadd.f32 v4, v56  }
0x213: {  	v58 =	vadd.f32 v8, v57;
	v6 =	vadd.f32 v6, v10  }
0x214: {  	v59 =	vadd.f32 v52, v9;
	v2 =	vadd.f32 v3, v2  }
0x215: {  	v60 =	vadd.f32 v4, v5;
	v61 =	vadd.f32 v58, v6  }
0x216: {  	[tilespmem:$0x5F80] =	vst v0;
	v62 =	vadd.f32 v2, v59  }
0x217: {  	[tilespmem:$0x5F90] =	vst v30;
	v63 =	vadd.f32 v61, v60  }
0x218: {  	s29 =	sshll.u32 s0, $0x3;
	[tilespmem:$0x5FA0] =	vst v62  }
0x219: {  	s2 =	sadd.s32 s2, s29;
	s30 =	simm.s32 $0x0;
	s31 =	simm.s32 $0x5F80;
	[tilespmem:$0x5FB0] =	vst v63  }
0x21a: {  	[hbm4b:s2+s30] =	stream.linear.scatter [tilespmem:s31], [sflag:$0x5], $0x40, $0x38;
	[tilespmem:$0x6400] =	vst v63  }
0x21b: {  	_ =	swait.ge [sflag:s4], $0x40  }
0x21c: {  	[sflag:s4] =	ssyncset.done $0x0  }
0x21d: {  	[sflag:s4] =	ssyncadd.s32 $0xFFFFFFC0  }
0x21e: {  	_ =	sfence.sel $0x180000  }
0x21f: {  	[bflag:$0x0] =	sbarrier.arrive $0xFFFF  }
0x220: {  	p0 =	sne.s32 s0, $0x0;
	_ =	strace $0x90000047  }
0x221: {  	s0 =	sadd.s32 @!p0 $0x100000, s1;
	[bflag:$0x2] =	sbarrier.arrive $0xFFFF  }
0x222: {  	[sflag:s0] =	ssyncadd.tile.s32 @!p0 $0x1;
	_ =	shalt  }
.Lfunc_end2:
_tile_overlayer_lowered:
.L_overlay_start_2:
0x223: {  	(tag) =	ssettag $0x2  }
0x224: {  	s0 =	rddreg [dreg:$0x0];
	s2 =	stileid.u32  }
0x225: {  	s1 =	rddreg [dreg:$0x1];
	p0 =	sne.s32 s2, $0x0  }
0x226: {  	s3 =	rddreg [dreg:$0x2];
	[bflag:$0x3] =	sbarrier.arrive $0xFFFF;
	s2 =	simm.s32 @!p0 $0x1C05  }
0x227: {  	[timem:s3], [sflag:s2] =	dma.local @!p0 [hbm:s0], s1  }
0x228: {  	s0 =	simm.s32 @!p0 $0x5  }
0x229: {  	_ =	swait.ge @!p0 [sflag:s0], s1  }
0x22a: {  	s1 =	ssub.s32 @!p0 $0x0, s1;
	[sflag:s0] =	ssyncset.done @!p0 $0x0  }
0x22b: {  	[sflag:s0] =	ssyncadd.s32 @!p0 s1  }
0x22c: {  	[bflag:$0x3] =	sbarrier.arrive $0xFFFF  }
0x22d: {  	_ =	shalt  }

</sc_bundles>
